<compile_context>
chip_gen: v7x
topology: tpu7x:2x2x1
jax: 0.10.2.dev20260603
libtpu: 0.0.44.dev20260713+nightly
codegen_flags: <defaults>
</compile_context>

<pallas_src>
import functools

import jax
import jax.numpy as jnp
from jax import lax
from jax.experimental import pallas as pl
from jax.experimental.pallas import tpu as pltpu
from jax.experimental.pallas import tpu_sc as plsc

NUM_PUZZLES = 1000000
EMB_DIM = 64
BATCH = 16384

_info = plsc.get_sparse_core_info()
_NC, _NS, _NL = _info.num_cores, _info.num_subcores, _info.num_lanes
_NW = _NC * _NS
_B_PER_W = BATCH // _NW
_N_CHUNKS = _B_PER_W // _NL


def _make_gather():
  mesh = plsc.VectorSubcoreMesh(core_axis_name="c", subcore_axis_name="s")

  @functools.partial(
      pl.kernel,
      mesh=mesh,
      compiler_params=pltpu.CompilerParams(needs_layout_passes=False),
      out_type=jax.ShapeDtypeStruct((BATCH, EMB_DIM), jnp.float32),
      scratch_types=[
          pltpu.VMEM((_B_PER_W,), jnp.int32),
          pltpu.VMEM((_B_PER_W, EMB_DIM), jnp.float32),
          pltpu.SemaphoreType.DMA,
      ],
  )
  def gather_kernel(idx_hbm, table_hbm, out_hbm, idx_v, rows_v, sem):
    wid = lax.axis_index("c") * _NS + lax.axis_index("s")
    base = wid * _B_PER_W
    pltpu.sync_copy(idx_hbm.at[pl.ds(base, _B_PER_W)], idx_v)
    lanes = lax.iota(jnp.int32, _NL)

    def body(chunk, carry):
      vec = idx_v[pl.ds(chunk * _NL, _NL)]
      for j in range(_NL):
        row = jnp.sum(jnp.where(lanes == j, vec, 0))
        pltpu.async_copy(
            table_hbm.at[pl.ds(row, 1)],
            rows_v.at[pl.ds(chunk * _NL + j, 1)],
            sem,
        )
      return carry

    lax.fori_loop(0, _N_CHUNKS, body, 0)
    pltpu.make_async_copy(table_hbm.at[pl.ds(0, _B_PER_W)], rows_v, sem).wait()
    pltpu.sync_copy(rows_v, out_hbm.at[pl.ds(base, _B_PER_W)])

  return gather_kernel


_gather = _make_gather()


@jax.jit
def kernel(puzzle_ids, embeddings):
  if puzzle_ids.ndim > 1:
    puzzle_ids = jnp.squeeze(puzzle_ids, axis=-1)
  return _gather(puzzle_ids.astype(jnp.int32), embeddings)

# --- scband reference (transcript-rebuilt; emitter-appended) ---
"""Pipeline reference for scband-puzzle-embedding-81827716923920 (READ-ONLY COPY).

The authoritative reference and input builder live on the scoring server;
editing this copy changes nothing except your own understanding.
"""

import jax, jax.numpy as jnp
import numpy as np

NUM_PUZZLES = 1000000
EMB_DIM = 64
INIT_STD = 0.02
BATCH = 16384


def setup_inputs(seed: int = 0) -> dict:
    key = jax.random.key(seed)
    k_idx, k_tab = jax.random.split(key)
    puzzle_ids = jax.random.randint(k_idx, (BATCH,), 0, NUM_PUZZLES, dtype=jnp.int64 if jax.config.jax_enable_x64 else jnp.int32)
    embeddings = jax.random.normal(k_tab, (NUM_PUZZLES, EMB_DIM), dtype=jnp.float32) * INIT_STD
    return {"puzzle_ids": puzzle_ids, "embeddings": embeddings}


def reference(puzzle_ids, embeddings):
    # Faithful translation of PuzzleEmbedding.forward:
    # squeeze trailing dim if present, then embedding lookup (row gather).
    if puzzle_ids.ndim > 1:
        puzzle_ids = jnp.squeeze(puzzle_ids, axis=-1)
    return jnp.take(embeddings, puzzle_ids, axis=0)

if __name__ == "__main__":
    import jax
    _d = setup_inputs()
    print(jax.jit(kernel)(*tuple(_d.values())))

</pallas_src>

<mosaic_0001>
#map = affine_map<(d0, d1) -> (0)>
#map1 = affine_map<(d0, d1) -> (0, 0)>
module attributes {stable_mosaic.version = 14 : i64} {
  func.func @gather_kernel(%arg0: i32, %arg1: i32, %arg2: memref<16384xi32, #tpu.memory_space<hbm>>, %arg3: memref<1000000x64xf32, #tpu.memory_space<hbm>>, %arg4: memref<16384x64xf32, #tpu.memory_space<hbm>>, %arg5: memref<512xi32, #tpu.memory_space<vmem>>, %arg6: memref<512x64xf32, #tpu.memory_space<vmem>>, %arg7: memref<!tpu.dma_semaphore, #tpu.memory_space<semaphore_mem>>) attributes {dimension_semantics = [#tpu.dimension_semantics<core_parallel>, #tpu.dimension_semantics<subcore_parallel>], iteration_bounds = array<i64: 2, 16>, scalar_prefetch = 0 : i64, scratch_operands = 3 : i64, tpu.core_type = #tpu.core_type<sc_vector_subcore>, window_params = [{transform_indices = #map}, {transform_indices = #map1}, {transform_indices = #map1}]} {
    %mul3A = arith.constant 16 : i32
    %mul3A_0 = arith.muli %arg0, %mul3A : i32
    %add3A = arith.addi %mul3A_0, %arg1 : i32
    %mul3A_1 = arith.constant 512 : i32
    %mul3A_2 = arith.muli %add3A, %mul3A_1 : i32
    "tpu.region"() ({
      %run_scoped3A = tpu.sem_alloc : memref<!tpu.dma_semaphore, #tpu.memory_space<semaphore_mem>>
      %dma_start3A = tpu.memref_slice %arg2[%mul3A_2] : memref<16384xi32, #tpu.memory_space<hbm>> -> memref<512xi32, #tpu.memory_space<hbm>>
      %dma_start3A_13 = tpu.memref_slice %arg2[%mul3A_2] : memref<16384xi32, #tpu.memory_space<hbm>> -> memref<512xi32, #tpu.memory_space<hbm>>
      tpu.enqueue_dma source(%dma_start3A_13 : memref<512xi32, #tpu.memory_space<hbm>>) target(%arg5 : memref<512xi32, #tpu.memory_space<vmem>>) target_semaphore(%run_scoped3A : memref<!tpu.dma_semaphore, #tpu.memory_space<semaphore_mem>>)
      %dma_wait3A_14 = tpu.memref_slice %arg2[%mul3A_2] : memref<16384xi32, #tpu.memory_space<hbm>> -> memref<512xi32, #tpu.memory_space<hbm>>
      %dma_wait3A_15 = tpu.memref_slice %arg2[%mul3A_2] : memref<16384xi32, #tpu.memory_space<hbm>> -> memref<512xi32, #tpu.memory_space<hbm>>
      tpu.wait_dma2 semaphore(%run_scoped3A : memref<!tpu.dma_semaphore, #tpu.memory_space<semaphore_mem>>) src(%dma_wait3A_15 : memref<512xi32, #tpu.memory_space<hbm>>) dst(%arg5 : memref<512xi32, #tpu.memory_space<vmem>>)
      tpu.yield
    }) : () -> ()
    %iota3A = tpu.iota {dimensions = array<i32: 0>} : vector<16xi32>
    %scan3A = arith.constant 0 : i32
    %scan3A_3 = arith.constant 0 : i32
    %scan3A_4 = arith.constant 32 : i32
    %scan3A_5 = arith.addi %scan3A_3, %scan3A_4 : i32
    %scan3A_6 = arith.constant 1 : i32
    scf.for %scan3A_13 = %scan3A_3 to %scan3A_5 step %scan3A_6  : i32 {
      %mul3A_14 = arith.constant 16 : i32
      %mul3A_15 = arith.muli %scan3A_13, %mul3A_14 : i32
      %get3A = arith.index_cast %mul3A_15 : i32 to index
      %get3A_16 = tpu.vector_load %arg5[%get3A] {strides = array<i32>} : memref<512xi32, #tpu.memory_space<vmem>>, vector<16xi32>,
      %eq3A = arith.constant 0 : i32
      %eq3A_17 = vector.broadcast %eq3A : i32 to vector<16xi32>
      %eq3A_18 = arith.cmpi eq, %iota3A, %eq3A_17 : vector<16xi32>
      %jit3A = arith.constant 0 : i32
      %broadcast_in_dim3A = vector.broadcast %jit3A : i32 to vector<16xi32>
      %select_n3A = arith.select %eq3A_18, %get3A_16, %broadcast_in_dim3A : vector<16xi1>, vector<16xi32>
      %reduce_sum3A = arith.constant true
      %reduce_sum3A_19 = vector.broadcast %reduce_sum3A : i1 to vector<16xi1>
      %reduce_sum3A_20 = tpu.scan <sum>, %select_n3A masked %reduce_sum3A_19 : vector<16xi32>, vector<16xi1> -> vector<16xi32>
      %reduce_sum3A_21 = vector.extract %reduce_sum3A_20[15] : i32 from vector<16xi32>
      %mul3A_22 = arith.constant 16 : i32
      %mul3A_23 = arith.muli %scan3A_13, %mul3A_22 : i32
      %add3A_24 = arith.constant 0 : i32
      %add3A_25 = arith.addi %mul3A_23, %add3A_24 : i32
      %dma_start3A = arith.constant 0 : i32
      %dma_start3A_26 = tpu.memref_slice %arg6[%add3A_25, %dma_start3A] : memref<512x64xf32, #tpu.memory_space<vmem>> -> memref<1x64xf32, #tpu.memory_space<vmem>>
      %dma_start3A_27 = arith.constant 0 : i32
      %dma_start3A_28 = tpu.memref_slice %arg3[%reduce_sum3A_21, %dma_start3A_27] : memref<1000000x64xf32, #tpu.memory_space<hbm>> -> memref<1x64xf32, #tpu.memory_space<hbm>>
      %dma_start3A_29 = arith.constant 0 : i32
      %dma_start3A_30 = tpu.memref_slice %arg6[%add3A_25, %dma_start3A_29] : memref<512x64xf32, #tpu.memory_space<vmem>> -> memref<1x64xf32, #tpu.memory_space<vmem>>
      %dma_start3A_31 = arith.constant 0 : i32
      %dma_start3A_32 = tpu.memref_slice %arg3[%reduce_sum3A_21, %dma_start3A_31] : memref<1000000x64xf32, #tpu.memory_space<hbm>> -> memref<1x64xf32, #tpu.memory_space<hbm>>
      tpu.enqueue_dma source(%dma_start3A_32 : memref<1x64xf32, #tpu.memory_space<hbm>>) target(%dma_start3A_30 : memref<1x64xf32, #tpu.memory_space<vmem>>) target_semaphore(%arg7 : memref<!tpu.dma_semaphore, #tpu.memory_space<semaphore_mem>>)
      %eq3A_33 = arith.constant 1 : i32
      %eq3A_34 = vector.broadcast %eq3A_33 : i32 to vector<16xi32>
      %eq3A_35 = arith.cmpi eq, %iota3A, %eq3A_34 : vector<16xi32>
      %jit3A_36 = arith.constant 0 : i32
      %broadcast_in_dim3A_37 = vector.broadcast %jit3A_36 : i32 to vector<16xi32>
      %select_n3A_38 = arith.select %eq3A_35, %get3A_16, %broadcast_in_dim3A_37 : vector<16xi1>, vector<16xi32>
      %reduce_sum3A_39 = arith.constant true
      %reduce_sum3A_40 = vector.broadcast %reduce_sum3A_39 : i1 to vector<16xi1>
      %reduce_sum3A_41 = tpu.scan <sum>, %select_n3A_38 masked %reduce_sum3A_40 : vector<16xi32>, vector<16xi1> -> vector<16xi32>
      %reduce_sum3A_42 = vector.extract %reduce_sum3A_41[15] : i32 from vector<16xi32>
      %mul3A_43 = arith.constant 16 : i32
      %mul3A_44 = arith.muli %scan3A_13, %mul3A_43 : i32
      %add3A_45 = arith.constant 1 : i32
      %add3A_46 = arith.addi %mul3A_44, %add3A_45 : i32
      %dma_start3A_47 = arith.constant 0 : i32
      %dma_start3A_48 = tpu.memref_slice %arg6[%add3A_46, %dma_start3A_47] : memref<512x64xf32, #tpu.memory_space<vmem>> -> memref<1x64xf32, #tpu.memory_space<vmem>>
      %dma_start3A_49 = arith.constant 0 : i32
      %dma_start3A_50 = tpu.memref_slice %arg3[%reduce_sum3A_42, %dma_start3A_49] : memref<1000000x64xf32, #tpu.memory_space<hbm>> -> memref<1x64xf32, #tpu.memory_space<hbm>>
      %dma_start3A_51 = arith.constant 0 : i32
      %dma_start3A_52 = tpu.memref_slice %arg6[%add3A_46, %dma_start3A_51] : memref<512x64xf32, #tpu.memory_space<vmem>> -> memref<1x64xf32, #tpu.memory_space<vmem>>
      %dma_start3A_53 = arith.constant 0 : i32
      %dma_start3A_54 = tpu.memref_slice %arg3[%reduce_sum3A_42, %dma_start3A_53] : memref<1000000x64xf32, #tpu.memory_space<hbm>> -> memref<1x64xf32, #tpu.memory_space<hbm>>
      tpu.enqueue_dma source(%dma_start3A_54 : memref<1x64xf32, #tpu.memory_space<hbm>>) target(%dma_start3A_52 : memref<1x64xf32, #tpu.memory_space<vmem>>) target_semaphore(%arg7 : memref<!tpu.dma_semaphore, #tpu.memory_space<semaphore_mem>>)
      %eq3A_55 = arith.constant 2 : i32
      %eq3A_56 = vector.broadcast %eq3A_55 : i32 to vector<16xi32>
      %eq3A_57 = arith.cmpi eq, %iota3A, %eq3A_56 : vector<16xi32>
      %jit3A_58 = arith.constant 0 : i32
      %broadcast_in_dim3A_59 = vector.broadcast %jit3A_58 : i32 to vector<16xi32>
      %select_n3A_60 = arith.select %eq3A_57, %get3A_16, %broadcast_in_dim3A_59 : vector<16xi1>, vector<16xi32>
      %reduce_sum3A_61 = arith.constant true
      %reduce_sum3A_62 = vector.broadcast %reduce_sum3A_61 : i1 to vector<16xi1>
      %reduce_sum3A_63 = tpu.scan <sum>, %select_n3A_60 masked %reduce_sum3A_62 : vector<16xi32>, vector<16xi1> -> vector<16xi32>
      %reduce_sum3A_64 = vector.extract %reduce_sum3A_63[15] : i32 from vector<16xi32>
      %mul3A_65 = arith.constant 16 : i32
      %mul3A_66 = arith.muli %scan3A_13, %mul3A_65 : i32
      %add3A_67 = arith.constant 2 : i32
      %add3A_68 = arith.addi %mul3A_66, %add3A_67 : i32
      %dma_start3A_69 = arith.constant 0 : i32
      %dma_start3A_70 = tpu.memref_slice %arg6[%add3A_68, %dma_start3A_69] : memref<512x64xf32, #tpu.memory_space<vmem>> -> memref<1x64xf32, #tpu.memory_space<vmem>>
      %dma_start3A_71 = arith.constant 0 : i32
      %dma_start3A_72 = tpu.memref_slice %arg3[%reduce_sum3A_64, %dma_start3A_71] : memref<1000000x64xf32, #tpu.memory_space<hbm>> -> memref<1x64xf32, #tpu.memory_space<hbm>>
      %dma_start3A_73 = arith.constant 0 : i32
      %dma_start3A_74 = tpu.memref_slice %arg6[%add3A_68, %dma_start3A_73] : memref<512x64xf32, #tpu.memory_space<vmem>> -> memref<1x64xf32, #tpu.memory_space<vmem>>
      %dma_start3A_75 = arith.constant 0 : i32
      %dma_start3A_76 = tpu.memref_slice %arg3[%reduce_sum3A_64, %dma_start3A_75] : memref<1000000x64xf32, #tpu.memory_space<hbm>> -> memref<1x64xf32, #tpu.memory_space<hbm>>
      tpu.enqueue_dma source(%dma_start3A_76 : memref<1x64xf32, #tpu.memory_space<hbm>>) target(%dma_start3A_74 : memref<1x64xf32, #tpu.memory_space<vmem>>) target_semaphore(%arg7 : memref<!tpu.dma_semaphore, #tpu.memory_space<semaphore_mem>>)
      %eq3A_77 = arith.constant 3 : i32
      %eq3A_78 = vector.broadcast %eq3A_77 : i32 to vector<16xi32>
      %eq3A_79 = arith.cmpi eq, %iota3A, %eq3A_78 : vector<16xi32>
      %jit3A_80 = arith.constant 0 : i32
      %broadcast_in_dim3A_81 = vector.broadcast %jit3A_80 : i32 to vector<16xi32>
      %select_n3A_82 = arith.select %eq3A_79, %get3A_16, %broadcast_in_dim3A_81 : vector<16xi1>, vector<16xi32>
      %reduce_sum3A_83 = arith.constant true
      %reduce_sum3A_84 = vector.broadcast %reduce_sum3A_83 : i1 to vector<16xi1>
      %reduce_sum3A_85 = tpu.scan <sum>, %select_n3A_82 masked %reduce_sum3A_84 : vector<16xi32>, vector<16xi1> -> vector<16xi32>
      %reduce_sum3A_86 = vector.extract %reduce_sum3A_85[15] : i32 from vector<16xi32>
      %mul3A_87 = arith.constant 16 : i32
      %mul3A_88 = arith.muli %scan3A_13, %mul3A_87 : i32
      %add3A_89 = arith.constant 3 : i32
      %add3A_90 = arith.addi %mul3A_88, %add3A_89 : i32
      %dma_start3A_91 = arith.constant 0 : i32
      %dma_start3A_92 = tpu.memref_slice %arg6[%add3A_90, %dma_start3A_91] : memref<512x64xf32, #tpu.memory_space<vmem>> -> memref<1x64xf32, #tpu.memory_space<vmem>>
      %dma_start3A_93 = arith.constant 0 : i32
      %dma_start3A_94 = tpu.memref_slice %arg3[%reduce_sum3A_86, %dma_start3A_93] : memref<1000000x64xf32, #tpu.memory_space<hbm>> -> memref<1x64xf32, #tpu.memory_space<hbm>>
      %dma_start3A_95 = arith.constant 0 : i32
      %dma_start3A_96 = tpu.memref_slice %arg6[%add3A_90, %dma_start3A_95] : memref<512x64xf32, #tpu.memory_space<vmem>> -> memref<1x64xf32, #tpu.memory_space<vmem>>
      %dma_start3A_97 = arith.constant 0 : i32
      %dma_start3A_98 = tpu.memref_slice %arg3[%reduce_sum3A_86, %dma_start3A_97] : memref<1000000x64xf32, #tpu.memory_space<hbm>> -> memref<1x64xf32, #tpu.memory_space<hbm>>
      tpu.enqueue_dma source(%dma_start3A_98 : memref<1x64xf32, #tpu.memory_space<hbm>>) target(%dma_start3A_96 : memref<1x64xf32, #tpu.memory_space<vmem>>) target_semaphore(%arg7 : memref<!tpu.dma_semaphore, #tpu.memory_space<semaphore_mem>>)
      %eq3A_99 = arith.constant 4 : i32
      %eq3A_100 = vector.broadcast %eq3A_99 : i32 to vector<16xi32>
      %eq3A_101 = arith.cmpi eq, %iota3A, %eq3A_100 : vector<16xi32>
      %jit3A_102 = arith.constant 0 : i32
      %broadcast_in_dim3A_103 = vector.broadcast %jit3A_102 : i32 to vector<16xi32>
      %select_n3A_104 = arith.select %eq3A_101, %get3A_16, %broadcast_in_dim3A_103 : vector<16xi1>, vector<16xi32>
      %reduce_sum3A_105 = arith.constant true
      %reduce_sum3A_106 = vector.broadcast %reduce_sum3A_105 : i1 to vector<16xi1>
      %reduce_sum3A_107 = tpu.scan <sum>, %select_n3A_104 masked %reduce_sum3A_106 : vector<16xi32>, vector<16xi1> -> vector<16xi32>
      %reduce_sum3A_108 = vector.extract %reduce_sum3A_107[15] : i32 from vector<16xi32>
      %mul3A_109 = arith.constant 16 : i32
      %mul3A_110 = arith.muli %scan3A_13, %mul3A_109 : i32
      %add3A_111 = arith.constant 4 : i32
      %add3A_112 = arith.addi %mul3A_110, %add3A_111 : i32
      %dma_start3A_113 = arith.constant 0 : i32
      %dma_start3A_114 = tpu.memref_slice %arg6[%add3A_112, %dma_start3A_113] : memref<512x64xf32, #tpu.memory_space<vmem>> -> memref<1x64xf32, #tpu.memory_space<vmem>>
      %dma_start3A_115 = arith.constant 0 : i32
      %dma_start3A_116 = tpu.memref_slice %arg3[%reduce_sum3A_108, %dma_start3A_115] : memref<1000000x64xf32, #tpu.memory_space<hbm>> -> memref<1x64xf32, #tpu.memory_space<hbm>>
      %dma_start3A_117 = arith.constant 0 : i32
      %dma_start3A_118 = tpu.memref_slice %arg6[%add3A_112, %dma_start3A_117] : memref<512x64xf32, #tpu.memory_space<vmem>> -> memref<1x64xf32, #tpu.memory_space<vmem>>
      %dma_start3A_119 = arith.constant 0 : i32
      %dma_start3A_120 = tpu.memref_slice %arg3[%reduce_sum3A_108, %dma_start3A_119] : memref<1000000x64xf32, #tpu.memory_space<hbm>> -> memref<1x64xf32, #tpu.memory_space<hbm>>
      tpu.enqueue_dma source(%dma_start3A_120 : memref<1x64xf32, #tpu.memory_space<hbm>>) target(%dma_start3A_118 : memref<1x64xf32, #tpu.memory_space<vmem>>) target_semaphore(%arg7 : memref<!tpu.dma_semaphore, #tpu.memory_space<semaphore_mem>>)
      %eq3A_121 = arith.constant 5 : i32
      %eq3A_122 = vector.broadcast %eq3A_121 : i32 to vector<16xi32>
      %eq3A_123 = arith.cmpi eq, %iota3A, %eq3A_122 : vector<16xi32>
      %jit3A_124 = arith.constant 0 : i32
      %broadcast_in_dim3A_125 = vector.broadcast %jit3A_124 : i32 to vector<16xi32>
      %select_n3A_126 = arith.select %eq3A_123, %get3A_16, %broadcast_in_dim3A_125 : vector<16xi1>, vector<16xi32>
      %reduce_sum3A_127 = arith.constant true
      %reduce_sum3A_128 = vector.broadcast %reduce_sum3A_127 : i1 to vector<16xi1>
      %reduce_sum3A_129 = tpu.scan <sum>, %select_n3A_126 masked %reduce_sum3A_128 : vector<16xi32>, vector<16xi1> -> vector<16xi32>
      %reduce_sum3A_130 = vector.extract %reduce_sum3A_129[15] : i32 from vector<16xi32>
      %mul3A_131 = arith.constant 16 : i32
      %mul3A_132 = arith.muli %scan3A_13, %mul3A_131 : i32
      %add3A_133 = arith.constant 5 : i32
      %add3A_134 = arith.addi %mul3A_132, %add3A_133 : i32
      %dma_start3A_135 = arith.constant 0 : i32
      %dma_start3A_136 = tpu.memref_slice %arg6[%add3A_134, %dma_start3A_135] : memref<512x64xf32, #tpu.memory_space<vmem>> -> memref<1x64xf32, #tpu.memory_space<vmem>>
      %dma_start3A_137 = arith.constant 0 : i32
      %dma_start3A_138 = tpu.memref_slice %arg3[%reduce_sum3A_130, %dma_start3A_137] : memref<1000000x64xf32, #tpu.memory_space<hbm>> -> memref<1x64xf32, #tpu.memory_space<hbm>>
      %dma_start3A_139 = arith.constant 0 : i32
      %dma_start3A_140 = tpu.memref_slice %arg6[%add3A_134, %dma_start3A_139] : memref<512x64xf32, #tpu.memory_space<vmem>> -> memref<1x64xf32, #tpu.memory_space<vmem>>
      %dma_start3A_141 = arith.constant 0 : i32
      %dma_start3A_142 = tpu.memref_slice %arg3[%reduce_sum3A_130, %dma_start3A_141] : memref<1000000x64xf32, #tpu.memory_space<hbm>> -> memref<1x64xf32, #tpu.memory_space<hbm>>
      tpu.enqueue_dma source(%dma_start3A_142 : memref<1x64xf32, #tpu.memory_space<hbm>>) target(%dma_start3A_140 : memref<1x64xf32, #tpu.memory_space<vmem>>) target_semaphore(%arg7 : memref<!tpu.dma_semaphore, #tpu.memory_space<semaphore_mem>>)
      %eq3A_143 = arith.constant 6 : i32
      %eq3A_144 = vector.broadcast %eq3A_143 : i32 to vector<16xi32>
      %eq3A_145 = arith.cmpi eq, %iota3A, %eq3A_144 : vector<16xi32>
      %jit3A_146 = arith.constant 0 : i32
      %broadcast_in_dim3A_147 = vector.broadcast %jit3A_146 : i32 to vector<16xi32>
      %select_n3A_148 = arith.select %eq3A_145, %get3A_16, %broadcast_in_dim3A_147 : vector<16xi1>, vector<16xi32>
      %reduce_sum3A_149 = arith.constant true
      %reduce_sum3A_150 = vector.broadcast %reduce_sum3A_149 : i1 to vector<16xi1>
      %reduce_sum3A_151 = tpu.scan <sum>, %select_n3A_148 masked %reduce_sum3A_150 : vector<16xi32>, vector<16xi1> -> vector<16xi32>
      %reduce_sum3A_152 = vector.extract %reduce_sum3A_151[15] : i32 from vector<16xi32>
      %mul3A_153 = arith.constant 16 : i32
      %mul3A_154 = arith.muli %scan3A_13, %mul3A_153 : i32
      %add3A_155 = arith.constant 6 : i32
      %add3A_156 = arith.addi %mul3A_154, %add3A_155 : i32
      %dma_start3A_157 = arith.constant 0 : i32
      %dma_start3A_158 = tpu.memref_slice %arg6[%add3A_156, %dma_start3A_157] : memref<512x64xf32, #tpu.memory_space<vmem>> -> memref<1x64xf32, #tpu.memory_space<vmem>>
      %dma_start3A_159 = arith.constant 0 : i32
      %dma_start3A_160 = tpu.memref_slice %arg3[%reduce_sum3A_152, %dma_start3A_159] : memref<1000000x64xf32, #tpu.memory_space<hbm>> -> memref<1x64xf32, #tpu.memory_space<hbm>>
      %dma_start3A_161 = arith.constant 0 : i32
      %dma_start3A_162 = tpu.memref_slice %arg6[%add3A_156, %dma_start3A_161] : memref<512x64xf32, #tpu.memory_space<vmem>> -> memref<1x64xf32, #tpu.memory_space<vmem>>
      %dma_start3A_163 = arith.constant 0 : i32
      %dma_start3A_164 = tpu.memref_slice %arg3[%reduce_sum3A_152, %dma_start3A_163] : memref<1000000x64xf32, #tpu.memory_space<hbm>> -> memref<1x64xf32, #tpu.memory_space<hbm>>
      tpu.enqueue_dma source(%dma_start3A_164 : memref<1x64xf32, #tpu.memory_space<hbm>>) target(%dma_start3A_162 : memref<1x64xf32, #tpu.memory_space<vmem>>) target_semaphore(%arg7 : memref<!tpu.dma_semaphore, #tpu.memory_space<semaphore_mem>>)
      %eq3A_165 = arith.constant 7 : i32
      %eq3A_166 = vector.broadcast %eq3A_165 : i32 to vector<16xi32>
      %eq3A_167 = arith.cmpi eq, %iota3A, %eq3A_166 : vector<16xi32>
      %jit3A_168 = arith.constant 0 : i32
      %broadcast_in_dim3A_169 = vector.broadcast %jit3A_168 : i32 to vector<16xi32>
      %select_n3A_170 = arith.select %eq3A_167, %get3A_16, %broadcast_in_dim3A_169 : vector<16xi1>, vector<16xi32>
      %reduce_sum3A_171 = arith.constant true
      %reduce_sum3A_172 = vector.broadcast %reduce_sum3A_171 : i1 to vector<16xi1>
      %reduce_sum3A_173 = tpu.scan <sum>, %select_n3A_170 masked %reduce_sum3A_172 : vector<16xi32>, vector<16xi1> -> vector<16xi32>
      %reduce_sum3A_174 = vector.extract %reduce_sum3A_173[15] : i32 from vector<16xi32>
      %mul3A_175 = arith.constant 16 : i32
      %mul3A_176 = arith.muli %scan3A_13, %mul3A_175 : i32
      %add3A_177 = arith.constant 7 : i32
      %add3A_178 = arith.addi %mul3A_176, %add3A_177 : i32
      %dma_start3A_179 = arith.constant 0 : i32
      %dma_start3A_180 = tpu.memref_slice %arg6[%add3A_178, %dma_start3A_179] : memref<512x64xf32, #tpu.memory_space<vmem>> -> memref<1x64xf32, #tpu.memory_space<vmem>>
      %dma_start3A_181 = arith.constant 0 : i32
      %dma_start3A_182 = tpu.memref_slice %arg3[%reduce_sum3A_174, %dma_start3A_181] : memref<1000000x64xf32, #tpu.memory_space<hbm>> -> memref<1x64xf32, #tpu.memory_space<hbm>>
      %dma_start3A_183 = arith.constant 0 : i32
      %dma_start3A_184 = tpu.memref_slice %arg6[%add3A_178, %dma_start3A_183] : memref<512x64xf32, #tpu.memory_space<vmem>> -> memref<1x64xf32, #tpu.memory_space<vmem>>
      %dma_start3A_185 = arith.constant 0 : i32
      %dma_start3A_186 = tpu.memref_slice %arg3[%reduce_sum3A_174, %dma_start3A_185] : memref<1000000x64xf32, #tpu.memory_space<hbm>> -> memref<1x64xf32, #tpu.memory_space<hbm>>
      tpu.enqueue_dma source(%dma_start3A_186 : memref<1x64xf32, #tpu.memory_space<hbm>>) target(%dma_start3A_184 : memref<1x64xf32, #tpu.memory_space<vmem>>) target_semaphore(%arg7 : memref<!tpu.dma_semaphore, #tpu.memory_space<semaphore_mem>>)
      %eq3A_187 = arith.constant 8 : i32
      %eq3A_188 = vector.broadcast %eq3A_187 : i32 to vector<16xi32>
      %eq3A_189 = arith.cmpi eq, %iota3A, %eq3A_188 : vector<16xi32>
      %jit3A_190 = arith.constant 0 : i32
      %broadcast_in_dim3A_191 = vector.broadcast %jit3A_190 : i32 to vector<16xi32>
      %select_n3A_192 = arith.select %eq3A_189, %get3A_16, %broadcast_in_dim3A_191 : vector<16xi1>, vector<16xi32>
      %reduce_sum3A_193 = arith.constant true
      %reduce_sum3A_194 = vector.broadcast %reduce_sum3A_193 : i1 to vector<16xi1>
      %reduce_sum3A_195 = tpu.scan <sum>, %select_n3A_192 masked %reduce_sum3A_194 : vector<16xi32>, vector<16xi1> -> vector<16xi32>
      %reduce_sum3A_196 = vector.extract %reduce_sum3A_195[15] : i32 from vector<16xi32>
      %mul3A_197 = arith.constant 16 : i32
      %mul3A_198 = arith.muli %scan3A_13, %mul3A_197 : i32
      %add3A_199 = arith.constant 8 : i32
      %add3A_200 = arith.addi %mul3A_198, %add3A_199 : i32
      %dma_start3A_201 = arith.constant 0 : i32
      %dma_start3A_202 = tpu.memref_slice %arg6[%add3A_200, %dma_start3A_201] : memref<512x64xf32, #tpu.memory_space<vmem>> -> memref<1x64xf32, #tpu.memory_space<vmem>>
      %dma_start3A_203 = arith.constant 0 : i32
      %dma_start3A_204 = tpu.memref_slice %arg3[%reduce_sum3A_196, %dma_start3A_203] : memref<1000000x64xf32, #tpu.memory_space<hbm>> -> memref<1x64xf32, #tpu.memory_space<hbm>>
      %dma_start3A_205 = arith.constant 0 : i32
      %dma_start3A_206 = tpu.memref_slice %arg6[%add3A_200, %dma_start3A_205] : memref<512x64xf32, #tpu.memory_space<vmem>> -> memref<1x64xf32, #tpu.memory_space<vmem>>
      %dma_start3A_207 = arith.constant 0 : i32
      %dma_start3A_208 = tpu.memref_slice %arg3[%reduce_sum3A_196, %dma_start3A_207] : memref<1000000x64xf32, #tpu.memory_space<hbm>> -> memref<1x64xf32, #tpu.memory_space<hbm>>
      tpu.enqueue_dma source(%dma_start3A_208 : memref<1x64xf32, #tpu.memory_space<hbm>>) target(%dma_start3A_206 : memref<1x64xf32, #tpu.memory_space<vmem>>) target_semaphore(%arg7 : memref<!tpu.dma_semaphore, #tpu.memory_space<semaphore_mem>>)
      %eq3A_209 = arith.constant 9 : i32
      %eq3A_210 = vector.broadcast %eq3A_209 : i32 to vector<16xi32>
      %eq3A_211 = arith.cmpi eq, %iota3A, %eq3A_210 : vector<16xi32>
      %jit3A_212 = arith.constant 0 : i32
      %broadcast_in_dim3A_213 = vector.broadcast %jit3A_212 : i32 to vector<16xi32>
      %select_n3A_214 = arith.select %eq3A_211, %get3A_16, %broadcast_in_dim3A_213 : vector<16xi1>, vector<16xi32>
      %reduce_sum3A_215 = arith.constant true
      %reduce_sum3A_216 = vector.broadcast %reduce_sum3A_215 : i1 to vector<16xi1>
      %reduce_sum3A_217 = tpu.scan <sum>, %select_n3A_214 masked %reduce_sum3A_216 : vector<16xi32>, vector<16xi1> -> vector<16xi32>
      %reduce_sum3A_218 = vector.extract %reduce_sum3A_217[15] : i32 from vector<16xi32>
      %mul3A_219 = arith.constant 16 : i32
      %mul3A_220 = arith.muli %scan3A_13, %mul3A_219 : i32
      %add3A_221 = arith.constant 9 : i32
      %add3A_222 = arith.addi %mul3A_220, %add3A_221 : i32
      %dma_start3A_223 = arith.constant 0 : i32
      %dma_start3A_224 = tpu.memref_slice %arg6[%add3A_222, %dma_start3A_223] : memref<512x64xf32, #tpu.memory_space<vmem>> -> memref<1x64xf32, #tpu.memory_space<vmem>>
      %dma_start3A_225 = arith.constant 0 : i32
      %dma_start3A_226 = tpu.memref_slice %arg3[%reduce_sum3A_218, %dma_start3A_225] : memref<1000000x64xf32, #tpu.memory_space<hbm>> -> memref<1x64xf32, #tpu.memory_space<hbm>>
      %dma_start3A_227 = arith.constant 0 : i32
      %dma_start3A_228 = tpu.memref_slice %arg6[%add3A_222, %dma_start3A_227] : memref<512x64xf32, #tpu.memory_space<vmem>> -> memref<1x64xf32, #tpu.memory_space<vmem>>
      %dma_start3A_229 = arith.constant 0 : i32
      %dma_start3A_230 = tpu.memref_slice %arg3[%reduce_sum3A_218, %dma_start3A_229] : memref<1000000x64xf32, #tpu.memory_space<hbm>> -> memref<1x64xf32, #tpu.memory_space<hbm>>
      tpu.enqueue_dma source(%dma_start3A_230 : memref<1x64xf32, #tpu.memory_space<hbm>>) target(%dma_start3A_228 : memref<1x64xf32, #tpu.memory_space<vmem>>) target_semaphore(%arg7 : memref<!tpu.dma_semaphore, #tpu.memory_space<semaphore_mem>>)
      %eq3A_231 = arith.constant 10 : i32
      %eq3A_232 = vector.broadcast %eq3A_231 : i32 to vector<16xi32>
      %eq3A_233 = arith.cmpi eq, %iota3A, %eq3A_232 : vector<16xi32>
      %jit3A_234 = arith.constant 0 : i32
      %broadcast_in_dim3A_235 = vector.broadcast %jit3A_234 : i32 to vector<16xi32>
      %select_n3A_236 = arith.select %eq3A_233, %get3A_16, %broadcast_in_dim3A_235 : vector<16xi1>, vector<16xi32>
      %reduce_sum3A_237 = arith.constant true
      %reduce_sum3A_238 = vector.broadcast %reduce_sum3A_237 : i1 to vector<16xi1>
      %reduce_sum3A_239 = tpu.scan <sum>, %select_n3A_236 masked %reduce_sum3A_238 : vector<16xi32>, vector<16xi1> -> vector<16xi32>
      %reduce_sum3A_240 = vector.extract %reduce_sum3A_239[15] : i32 from vector<16xi32>
      %mul3A_241 = arith.constant 16 : i32
      %mul3A_242 = arith.muli %scan3A_13, %mul3A_241 : i32
      %add3A_243 = arith.constant 10 : i32
      %add3A_244 = arith.addi %mul3A_242, %add3A_243 : i32
      %dma_start3A_245 = arith.constant 0 : i32
      %dma_start3A_246 = tpu.memref_slice %arg6[%add3A_244, %dma_start3A_245] : memref<512x64xf32, #tpu.memory_space<vmem>> -> memref<1x64xf32, #tpu.memory_space<vmem>>
      %dma_start3A_247 = arith.constant 0 : i32
      %dma_start3A_248 = tpu.memref_slice %arg3[%reduce_sum3A_240, %dma_start3A_247] : memref<1000000x64xf32, #tpu.memory_space<hbm>> -> memref<1x64xf32, #tpu.memory_space<hbm>>
      %dma_start3A_249 = arith.constant 0 : i32
      %dma_start3A_250 = tpu.memref_slice %arg6[%add3A_244, %dma_start3A_249] : memref<512x64xf32, #tpu.memory_space<vmem>> -> memref<1x64xf32, #tpu.memory_space<vmem>>
      %dma_start3A_251 = arith.constant 0 : i32
      %dma_start3A_252 = tpu.memref_slice %arg3[%reduce_sum3A_240, %dma_start3A_251] : memref<1000000x64xf32, #tpu.memory_space<hbm>> -> memref<1x64xf32, #tpu.memory_space<hbm>>
      tpu.enqueue_dma source(%dma_start3A_252 : memref<1x64xf32, #tpu.memory_space<hbm>>) target(%dma_start3A_250 : memref<1x64xf32, #tpu.memory_space<vmem>>) target_semaphore(%arg7 : memref<!tpu.dma_semaphore, #tpu.memory_space<semaphore_mem>>)
      %eq3A_253 = arith.constant 11 : i32
      %eq3A_254 = vector.broadcast %eq3A_253 : i32 to vector<16xi32>
      %eq3A_255 = arith.cmpi eq, %iota3A, %eq3A_254 : vector<16xi32>
      %jit3A_256 = arith.constant 0 : i32
      %broadcast_in_dim3A_257 = vector.broadcast %jit3A_256 : i32 to vector<16xi32>
      %select_n3A_258 = arith.select %eq3A_255, %get3A_16, %broadcast_in_dim3A_257 : vector<16xi1>, vector<16xi32>
      %reduce_sum3A_259 = arith.constant true
      %reduce_sum3A_260 = vector.broadcast %reduce_sum3A_259 : i1 to vector<16xi1>
      %reduce_sum3A_261 = tpu.scan <sum>, %select_n3A_258 masked %reduce_sum3A_260 : vector<16xi32>, vector<16xi1> -> vector<16xi32>
      %reduce_sum3A_262 = vector.extract %reduce_sum3A_261[15] : i32 from vector<16xi32>
      %mul3A_263 = arith.constant 16 : i32
      %mul3A_264 = arith.muli %scan3A_13, %mul3A_263 : i32
      %add3A_265 = arith.constant 11 : i32
      %add3A_266 = arith.addi %mul3A_264, %add3A_265 : i32
      %dma_start3A_267 = arith.constant 0 : i32
      %dma_start3A_268 = tpu.memref_slice %arg6[%add3A_266, %dma_start3A_267] : memref<512x64xf32, #tpu.memory_space<vmem>> -> memref<1x64xf32, #tpu.memory_space<vmem>>
      %dma_start3A_269 = arith.constant 0 : i32
      %dma_start3A_270 = tpu.memref_slice %arg3[%reduce_sum3A_262, %dma_start3A_269] : memref<1000000x64xf32, #tpu.memory_space<hbm>> -> memref<1x64xf32, #tpu.memory_space<hbm>>
      %dma_start3A_271 = arith.constant 0 : i32
      %dma_start3A_272 = tpu.memref_slice %arg6[%add3A_266, %dma_start3A_271] : memref<512x64xf32, #tpu.memory_space<vmem>> -> memref<1x64xf32, #tpu.memory_space<vmem>>
      %dma_start3A_273 = arith.constant 0 : i32
      %dma_start3A_274 = tpu.memref_slice %arg3[%reduce_sum3A_262, %dma_start3A_273] : memref<1000000x64xf32, #tpu.memory_space<hbm>> -> memref<1x64xf32, #tpu.memory_space<hbm>>
      tpu.enqueue_dma source(%dma_start3A_274 : memref<1x64xf32, #tpu.memory_space<hbm>>) target(%dma_start3A_272 : memref<1x64xf32, #tpu.memory_space<vmem>>) target_semaphore(%arg7 : memref<!tpu.dma_semaphore, #tpu.memory_space<semaphore_mem>>)
      %eq3A_275 = arith.constant 12 : i32
      %eq3A_276 = vector.broadcast %eq3A_275 : i32 to vector<16xi32>
      %eq3A_277 = arith.cmpi eq, %iota3A, %eq3A_276 : vector<16xi32>
      %jit3A_278 = arith.constant 0 : i32
      %broadcast_in_dim3A_279 = vector.broadcast %jit3A_278 : i32 to vector<16xi32>
      %select_n3A_280 = arith.select %eq3A_277, %get3A_16, %broadcast_in_dim3A_279 : vector<16xi1>, vector<16xi32>
      %reduce_sum3A_281 = arith.constant true
      %reduce_sum3A_282 = vector.broadcast %reduce_sum3A_281 : i1 to vector<16xi1>
      %reduce_sum3A_283 = tpu.scan <sum>, %select_n3A_280 masked %reduce_sum3A_282 : vector<16xi32>, vector<16xi1> -> vector<16xi32>
      %reduce_sum3A_284 = vector.extract %reduce_sum3A_283[15] : i32 from vector<16xi32>
      %mul3A_285 = arith.constant 16 : i32
      %mul3A_286 = arith.muli %scan3A_13, %mul3A_285 : i32
      %add3A_287 = arith.constant 12 : i32
      %add3A_288 = arith.addi %mul3A_286, %add3A_287 : i32
      %dma_start3A_289 = arith.constant 0 : i32
      %dma_start3A_290 = tpu.memref_slice %arg6[%add3A_288, %dma_start3A_289] : memref<512x64xf32, #tpu.memory_space<vmem>> -> memref<1x64xf32, #tpu.memory_space<vmem>>
      %dma_start3A_291 = arith.constant 0 : i32
      %dma_start3A_292 = tpu.memref_slice %arg3[%reduce_sum3A_284, %dma_start3A_291] : memref<1000000x64xf32, #tpu.memory_space<hbm>> -> memref<1x64xf32, #tpu.memory_space<hbm>>
      %dma_start3A_293 = arith.constant 0 : i32
      %dma_start3A_294 = tpu.memref_slice %arg6[%add3A_288, %dma_start3A_293] : memref<512x64xf32, #tpu.memory_space<vmem>> -> memref<1x64xf32, #tpu.memory_space<vmem>>
      %dma_start3A_295 = arith.constant 0 : i32
      %dma_start3A_296 = tpu.memref_slice %arg3[%reduce_sum3A_284, %dma_start3A_295] : memref<1000000x64xf32, #tpu.memory_space<hbm>> -> memref<1x64xf32, #tpu.memory_space<hbm>>
      tpu.enqueue_dma source(%dma_start3A_296 : memref<1x64xf32, #tpu.memory_space<hbm>>) target(%dma_start3A_294 : memref<1x64xf32, #tpu.memory_space<vmem>>) target_semaphore(%arg7 : memref<!tpu.dma_semaphore, #tpu.memory_space<semaphore_mem>>)
      %eq3A_297 = arith.constant 13 : i32
      %eq3A_298 = vector.broadcast %eq3A_297 : i32 to vector<16xi32>
      %eq3A_299 = arith.cmpi eq, %iota3A, %eq3A_298 : vector<16xi32>
      %jit3A_300 = arith.constant 0 : i32
      %broadcast_in_dim3A_301 = vector.broadcast %jit3A_300 : i32 to vector<16xi32>
      %select_n3A_302 = arith.select %eq3A_299, %get3A_16, %broadcast_in_dim3A_301 : vector<16xi1>, vector<16xi32>
      %reduce_sum3A_303 = arith.constant true
      %reduce_sum3A_304 = vector.broadcast %reduce_sum3A_303 : i1 to vector<16xi1>
      %reduce_sum3A_305 = tpu.scan <sum>, %select_n3A_302 masked %reduce_sum3A_304 : vector<16xi32>, vector<16xi1> -> vector<16xi32>
      %reduce_sum3A_306 = vector.extract %reduce_sum3A_305[15] : i32 from vector<16xi32>
      %mul3A_307 = arith.constant 16 : i32
      %mul3A_308 = arith.muli %scan3A_13, %mul3A_307 : i32
      %add3A_309 = arith.constant 13 : i32
      %add3A_310 = arith.addi %mul3A_308, %add3A_309 : i32
      %dma_start3A_311 = arith.constant 0 : i32
      %dma_start3A_312 = tpu.memref_slice %arg6[%add3A_310, %dma_start3A_311] : memref<512x64xf32, #tpu.memory_space<vmem>> -> memref<1x64xf32, #tpu.memory_space<vmem>>
      %dma_start3A_313 = arith.constant 0 : i32
      %dma_start3A_314 = tpu.memref_slice %arg3[%reduce_sum3A_306, %dma_start3A_313] : memref<1000000x64xf32, #tpu.memory_space<hbm>> -> memref<1x64xf32, #tpu.memory_space<hbm>>
      %dma_start3A_315 = arith.constant 0 : i32
      %dma_start3A_316 = tpu.memref_slice %arg6[%add3A_310, %dma_start3A_315] : memref<512x64xf32, #tpu.memory_space<vmem>> -> memref<1x64xf32, #tpu.memory_space<vmem>>
      %dma_start3A_317 = arith.constant 0 : i32
      %dma_start3A_318 = tpu.memref_slice %arg3[%reduce_sum3A_306, %dma_start3A_317] : memref<1000000x64xf32, #tpu.memory_space<hbm>> -> memref<1x64xf32, #tpu.memory_space<hbm>>
      tpu.enqueue_dma source(%dma_start3A_318 : memref<1x64xf32, #tpu.memory_space<hbm>>) target(%dma_start3A_316 : memref<1x64xf32, #tpu.memory_space<vmem>>) target_semaphore(%arg7 : memref<!tpu.dma_semaphore, #tpu.memory_space<semaphore_mem>>)
      %eq3A_319 = arith.constant 14 : i32
      %eq3A_320 = vector.broadcast %eq3A_319 : i32 to vector<16xi32>
      %eq3A_321 = arith.cmpi eq, %iota3A, %eq3A_320 : vector<16xi32>
      %jit3A_322 = arith.constant 0 : i32
      %broadcast_in_dim3A_323 = vector.broadcast %jit3A_322 : i32 to vector<16xi32>
      %select_n3A_324 = arith.select %eq3A_321, %get3A_16, %broadcast_in_dim3A_323 : vector<16xi1>, vector<16xi32>
      %reduce_sum3A_325 = arith.constant true
      %reduce_sum3A_326 = vector.broadcast %reduce_sum3A_325 : i1 to vector<16xi1>
      %reduce_sum3A_327 = tpu.scan <sum>, %select_n3A_324 masked %reduce_sum3A_326 : vector<16xi32>, vector<16xi1> -> vector<16xi32>
      %reduce_sum3A_328 = vector.extract %reduce_sum3A_327[15] : i32 from vector<16xi32>
      %mul3A_329 = arith.constant 16 : i32
      %mul3A_330 = arith.muli %scan3A_13, %mul3A_329 : i32
      %add3A_331 = arith.constant 14 : i32
      %add3A_332 = arith.addi %mul3A_330, %add3A_331 : i32
      %dma_start3A_333 = arith.constant 0 : i32
      %dma_start3A_334 = tpu.memref_slice %arg6[%add3A_332, %dma_start3A_333] : memref<512x64xf32, #tpu.memory_space<vmem>> -> memref<1x64xf32, #tpu.memory_space<vmem>>
      %dma_start3A_335 = arith.constant 0 : i32
      %dma_start3A_336 = tpu.memref_slice %arg3[%reduce_sum3A_328, %dma_start3A_335] : memref<1000000x64xf32, #tpu.memory_space<hbm>> -> memref<1x64xf32, #tpu.memory_space<hbm>>
      %dma_start3A_337 = arith.constant 0 : i32
      %dma_start3A_338 = tpu.memref_slice %arg6[%add3A_332, %dma_start3A_337] : memref<512x64xf32, #tpu.memory_space<vmem>> -> memref<1x64xf32, #tpu.memory_space<vmem>>
      %dma_start3A_339 = arith.constant 0 : i32
      %dma_start3A_340 = tpu.memref_slice %arg3[%reduce_sum3A_328, %dma_start3A_339] : memref<1000000x64xf32, #tpu.memory_space<hbm>> -> memref<1x64xf32, #tpu.memory_space<hbm>>
      tpu.enqueue_dma source(%dma_start3A_340 : memref<1x64xf32, #tpu.memory_space<hbm>>) target(%dma_start3A_338 : memref<1x64xf32, #tpu.memory_space<vmem>>) target_semaphore(%arg7 : memref<!tpu.dma_semaphore, #tpu.memory_space<semaphore_mem>>)
      %eq3A_341 = arith.constant 15 : i32
      %eq3A_342 = vector.broadcast %eq3A_341 : i32 to vector<16xi32>
      %eq3A_343 = arith.cmpi eq, %iota3A, %eq3A_342 : vector<16xi32>
      %jit3A_344 = arith.constant 0 : i32
      %broadcast_in_dim3A_345 = vector.broadcast %jit3A_344 : i32 to vector<16xi32>
      %select_n3A_346 = arith.select %eq3A_343, %get3A_16, %broadcast_in_dim3A_345 : vector<16xi1>, vector<16xi32>
      %reduce_sum3A_347 = arith.constant true
      %reduce_sum3A_348 = vector.broadcast %reduce_sum3A_347 : i1 to vector<16xi1>
      %reduce_sum3A_349 = tpu.scan <sum>, %select_n3A_346 masked %reduce_sum3A_348 : vector<16xi32>, vector<16xi1> -> vector<16xi32>
      %reduce_sum3A_350 = vector.extract %reduce_sum3A_349[15] : i32 from vector<16xi32>
      %mul3A_351 = arith.constant 16 : i32
      %mul3A_352 = arith.muli %scan3A_13, %mul3A_351 : i32
      %add3A_353 = arith.constant 15 : i32
      %add3A_354 = arith.addi %mul3A_352, %add3A_353 : i32
      %dma_start3A_355 = arith.constant 0 : i32
      %dma_start3A_356 = tpu.memref_slice %arg6[%add3A_354, %dma_start3A_355] : memref<512x64xf32, #tpu.memory_space<vmem>> -> memref<1x64xf32, #tpu.memory_space<vmem>>
      %dma_start3A_357 = arith.constant 0 : i32
      %dma_start3A_358 = tpu.memref_slice %arg3[%reduce_sum3A_350, %dma_start3A_357] : memref<1000000x64xf32, #tpu.memory_space<hbm>> -> memref<1x64xf32, #tpu.memory_space<hbm>>
      %dma_start3A_359 = arith.constant 0 : i32
      %dma_start3A_360 = tpu.memref_slice %arg6[%add3A_354, %dma_start3A_359] : memref<512x64xf32, #tpu.memory_space<vmem>> -> memref<1x64xf32, #tpu.memory_space<vmem>>
      %dma_start3A_361 = arith.constant 0 : i32
      %dma_start3A_362 = tpu.memref_slice %arg3[%reduce_sum3A_350, %dma_start3A_361] : memref<1000000x64xf32, #tpu.memory_space<hbm>> -> memref<1x64xf32, #tpu.memory_space<hbm>>
      tpu.enqueue_dma source(%dma_start3A_362 : memref<1x64xf32, #tpu.memory_space<hbm>>) target(%dma_start3A_360 : memref<1x64xf32, #tpu.memory_space<vmem>>) target_semaphore(%arg7 : memref<!tpu.dma_semaphore, #tpu.memory_space<semaphore_mem>>)
    }
    %scan3A_7 = arith.constant 32 : i32
    %dma_wait3A = arith.constant 0 : i32
    %dma_wait3A_8 = arith.constant 0 : i32
    %dma_wait3A_9 = tpu.memref_slice %arg3[%dma_wait3A, %dma_wait3A_8] : memref<1000000x64xf32, #tpu.memory_space<hbm>> -> memref<512x64xf32, #tpu.memory_space<hbm>>
    %dma_wait3A_10 = arith.constant 0 : i32
    %dma_wait3A_11 = arith.constant 0 : i32
    %dma_wait3A_12 = tpu.memref_slice %arg3[%dma_wait3A_10, %dma_wait3A_11] : memref<1000000x64xf32, #tpu.memory_space<hbm>> -> memref<512x64xf32, #tpu.memory_space<hbm>>
    tpu.wait_dma2 semaphore(%arg7 : memref<!tpu.dma_semaphore, #tpu.memory_space<semaphore_mem>>) src(%dma_wait3A_12 : memref<512x64xf32, #tpu.memory_space<hbm>>) dst(%arg6 : memref<512x64xf32, #tpu.memory_space<vmem>>)
    "tpu.region"() ({
      %run_scoped3A = tpu.sem_alloc : memref<!tpu.dma_semaphore, #tpu.memory_space<semaphore_mem>>
      %dma_start3A = arith.constant 0 : i32
      %dma_start3A_13 = tpu.memref_slice %arg4[%mul3A_2, %dma_start3A] : memref<16384x64xf32, #tpu.memory_space<hbm>> -> memref<512x64xf32, #tpu.memory_space<hbm>>
      %dma_start3A_14 = arith.constant 0 : i32
      %dma_start3A_15 = tpu.memref_slice %arg4[%mul3A_2, %dma_start3A_14] : memref<16384x64xf32, #tpu.memory_space<hbm>> -> memref<512x64xf32, #tpu.memory_space<hbm>>
      tpu.enqueue_dma source(%arg6 : memref<512x64xf32, #tpu.memory_space<vmem>>) target(%dma_start3A_15 : memref<512x64xf32, #tpu.memory_space<hbm>>) target_semaphore(%run_scoped3A : memref<!tpu.dma_semaphore, #tpu.memory_space<semaphore_mem>>)
      %dma_wait3A_16 = arith.constant 0 : i32
      %dma_wait3A_17 = tpu.memref_slice %arg4[%mul3A_2, %dma_wait3A_16] : memref<16384x64xf32, #tpu.memory_space<hbm>> -> memref<512x64xf32, #tpu.memory_space<hbm>>
      %dma_wait3A_18 = arith.constant 0 : i32
      %dma_wait3A_19 = tpu.memref_slice %arg4[%mul3A_2, %dma_wait3A_18] : memref<16384x64xf32, #tpu.memory_space<hbm>> -> memref<512x64xf32, #tpu.memory_space<hbm>>
      tpu.wait_dma2 semaphore(%run_scoped3A : memref<!tpu.dma_semaphore, #tpu.memory_space<semaphore_mem>>) src(%arg6 : memref<512x64xf32, #tpu.memory_space<vmem>>) dst(%dma_wait3A_19 : memref<512x64xf32, #tpu.memory_space<hbm>>)
      tpu.yield
    }) : () -> ()
    return
  }
}

</mosaic_0001>

<sc_bundles>
// kernel: kernel.3.cloned.1.call-start
scs
__scs_entry_jumppad:
0x0: {  	(pc) =	sbr.rel $0x88, $3  }
0x1: {  	(tag) =	ssettag $0x0;
	lr =	simm.s32 $0x1  }
0x2: {  	[smem:$0x3F9F] =	sst lr;
	_ =	strace $0xD0000000  }
0x3: {  	_ = 	snop  }
0x4: {  	_ = 	snop  }
0x5: {  	_ = 	snop  }
0x6: {  	_ = 	snop  }
0x7: {  	_ = 	snop  }
__scs_overlays_trampoline_lowered:
0x8: {  	[smem:$0x3FAE] =	sst s0  }
0x9: {  	[smem:$0x3FAF] =	sst s1  }
0xa: {  	[smem:$0x3FB0] =	sst s2  }
0xb: {  	[smem:$0x3FB1] =	sst s3  }
0xc: {  	[smem:$0x3FB2] =	sst s4  }
0xd: {  	[smem:$0x3FB3] =	sst s5  }
0xe: {  	[smem:$0x3FB4] =	sst s6  }
0xf: {  	[smem:$0x3FB5] =	sst s7  }
0x10: {  	[smem:$0x3FB6] =	sst s8  }
0x11: {  	[smem:$0x3FB7] =	sst s9;
	s0 =	simm.s32 @!p0 $0x0  }
0x12: {  	s1 =	sld [smem:$0x3F9D];
	s0 =	simm.s32 @p0 $0x1  }
0x13: {  	[smem:$0x3FB8] =	sst s0;
	s0 =	simm.s32 @!p1 $0x0  }
0x14: {  	s2 =	sld [smem:$0x3F9C];
	s0 =	simm.s32 @p1 $0x1  }
0x15: {  	[smem:$0x3FB9] =	sst s0;
	s0 =	simm.s32 @!p2 $0x0  }
0x16: {  	s3 =	sld [smem:$0x3FDB];
	s0 =	simm.s32 @p2 $0x1  }
0x17: {  	s4 =	simm.s32 $0x1BF5;
	[smem:$0x3FBB] =	sst s0  }
0x18: {  	s0 =	sld [smem:$0x3F9E];
	_ =	swait.ge [sflag:s4], $0x0  }
0x19: {  	s7 =	sld [smem:$0x3F9F]  }
0x1a: {  	s8 =	sadd.s32 $0xFFFFE003, lr  }
0x1b: {  	s9 =	sadd.s32 $0xFFFFFEF7, lr;
	s5 =	simm.s32 $0xFFFFFFFF;
	p2 =	slt.u32 s8, $0xFFFFF086  }
0x1c: {  	p1 =	slt.u32 s9, $0xF7A;
	s5 =	simm.s32 @!p2 $0x0  }
0x1d: {  	s5 =	simm.s32 @p1 $0x1;
	p0 =	seq.s32 s7, s2  }
0x1e: {  	s7 =	smul.u32 @!p0 $0xF7A, s2;
	p2 =	seq.s32 @!p0 s5, $0x0  }
0x1f: {  	s9 =	smul.u32 $0xF7A, s1;
	s8 =	simm.s32 @!p0 $0x1BF5;
	p2 =	por !p2, p0  }
0x20: {  	[sflag:s8] =	ssyncset.s32 @!p0 $0xFFFFF086;
	s6 =	sadd.s32 @!p0 s3, s7;
	s7 =	simm.s32 @!p0 $0x108  }
0x21: {  	s3 =	sadd.s32 s3, s9;
	s6 =	sadd.s32 @!p0 $0x88, s6;
	s7 =	simm.s32 @p2 $0x1082  }
0x22: {  	[simem:s7], [sflag:s8] =	dma.local @!p0 [hbm:s6], $0xF7A  }
0x23: {  	s9 =	sor.u32 $0xD0000000, s2;
	s6 =	simm.s32 $0x108;
	_ =	swait.ge @!p0 [sflag:s8], $0x0  }
0x24: {  	s3 =	sadd.s32 $0x88, s3;
	s6 =	simm.s32 @!p1 $0x1082;
	[sflag:s4] =	ssyncset.s32 $0xFFFFF086  }
0x25: {  	[simem:s6], [sflag:s4] =	dma.local [hbm:s3], $0xF7A  }
0x26: {  	[smem:$0x3F9F] =	sst s1;
	(tag) =	ssettag s2;
	_ =	strace s9  }
0x27: {  	s1 =	sld [smem:$0x3FAF]  }
0x28: {  	s2 =	sld [smem:$0x3FB0]  }
0x29: {  	s4 =	sld [smem:$0x3FB2]  }
0x2a: {  	p0 =	seq.s32 s5, $0x0;
	s5 =	sld [smem:$0x3FB3]  }
0x2b: {  	s6 =	sld [smem:$0x3FB4]  }
0x2c: {  	s7 =	sld [smem:$0x3FB5]  }
0x2d: {  	s3 =	simm.s32 $0x108;
	s8 =	sld [smem:$0x3FB6]  }
0x2e: {  	s3 =	simm.s32 @!p0 $0x1082;
	s9 =	sld [smem:$0x3FB7]  }
0x2f: {  	lr =	sadd.s32 s0, s3;
	s0 =	sld [smem:$0x3FAE]  }
0x30: {  	s3 =	sld [smem:$0x3FB1]  }
0x31: {  	[smem:$0x3FBA] =	sst s10  }
0x32: {  	s10 =	sld [smem:$0x3FB8];
	_ =	sdelay $0x3  }
0x33: {  	p0 =	seq.s32 s10, $0x1;
	s10 =	sld [smem:$0x3FBA];
	_ =	sdelay $0x3  }
0x34: {  	[smem:$0x3FBA] =	sst s10  }
0x35: {  	s10 =	sld [smem:$0x3FB9];
	_ =	sdelay $0x3  }
0x36: {  	p1 =	seq.s32 s10, $0x1;
	s10 =	sld [smem:$0x3FBA];
	_ =	sdelay $0x3  }
0x37: {  	[smem:$0x3FBA] =	sst s10  }
0x38: {  	s10 =	sld [smem:$0x3FBB]  }
0x39: {  	_ = 	snop;
	(pc) =	sbr.ind lr, $3  }
0x3a: {  	_ = 	snop  }
0x3b: {  	_ = 	snop  }
0x3c: {  	p2 =	seq.s32 s10, $0x1;
	s10 =	sld [smem:$0x3FBA]  }
0x3d: {  	_ =	shalt  }
0x3e: {  	_ =	shalt  }
0x3f: {  	_ =	shalt  }
0x40: {  	_ =	shalt  }
0x41: {  	_ =	shalt  }
0x42: {  	_ =	shalt  }
0x43: {  	_ =	shalt  }
0x44: {  	_ =	shalt  }
0x45: {  	_ =	shalt  }
0x46: {  	_ =	shalt  }
0x47: {  	_ =	shalt  }
0x48: {  	_ =	shalt  }
0x49: {  	_ =	shalt  }
0x4a: {  	_ =	shalt  }
0x4b: {  	_ =	shalt  }
0x4c: {  	_ =	shalt  }
0x4d: {  	_ =	shalt  }
0x4e: {  	_ =	shalt  }
0x4f: {  	_ =	shalt  }
0x50: {  	_ =	shalt  }
0x51: {  	_ =	shalt  }
0x52: {  	_ =	shalt  }
0x53: {  	_ =	shalt  }
0x54: {  	_ =	shalt  }
0x55: {  	_ =	shalt  }
0x56: {  	_ =	shalt  }
0x57: {  	_ =	shalt  }
0x58: {  	_ =	shalt  }
0x59: {  	_ =	shalt  }
0x5a: {  	_ =	shalt  }
0x5b: {  	_ =	shalt  }
0x5c: {  	_ =	shalt  }
0x5d: {  	_ =	shalt  }
0x5e: {  	_ =	shalt  }
0x5f: {  	_ =	shalt  }
0x60: {  	_ =	shalt  }
0x61: {  	_ =	shalt  }
0x62: {  	_ =	shalt  }
0x63: {  	_ =	shalt  }
0x64: {  	_ =	shalt  }
0x65: {  	_ =	shalt  }
0x66: {  	_ =	shalt  }
0x67: {  	_ =	shalt  }
0x68: {  	_ =	shalt  }
0x69: {  	_ =	shalt  }
0x6a: {  	_ =	shalt  }
0x6b: {  	_ =	shalt  }
0x6c: {  	_ =	shalt  }
0x6d: {  	_ =	shalt  }
0x6e: {  	_ =	shalt  }
0x6f: {  	_ =	shalt  }
0x70: {  	_ =	shalt  }
0x71: {  	_ =	shalt  }
0x72: {  	_ =	shalt  }
0x73: {  	_ =	shalt  }
0x74: {  	_ =	shalt  }
0x75: {  	_ =	shalt  }
0x76: {  	_ =	shalt  }
0x77: {  	_ =	shalt  }
0x78: {  	_ =	shalt  }
0x79: {  	_ =	shalt  }
0x7a: {  	_ =	shalt  }
0x7b: {  	_ =	shalt  }
0x7c: {  	_ =	shalt  }
0x7d: {  	_ =	shalt  }
0x7e: {  	_ =	shalt  }
0x7f: {  	_ =	shalt  }
0x80: {  	_ =	shalt  }
0x81: {  	_ =	shalt  }
0x82: {  	_ =	shalt  }
0x83: {  	_ =	shalt  }
0x84: {  	_ =	shalt  }
0x85: {  	_ =	shalt  }
0x86: {  	_ =	shalt  }
0x87: {  	_ =	shalt  }
.Lfunc_end0:
.L_simem_size_0:
called_computation_lowered:
.L_overlay_start_0:
0x88: {  	s2 =	sld [smem:$0x3FD9]  }
0x89: {  	s3 =	sld [smem:$0x3FFE];
	_ =	sdelay $0x1  }
0x8a: {  	s1 =	srdreg.scid  }
0x8b: {  	s0 =	sand.u32 $0x1, s1  }
0x8c: {  	s17 =	sshll.u32 s0, $0xA;
	s2 =	sadd.s32 s3, s2  }
0x8d: {  	s2 =	sadd.s32 s2, s17  }
0x8e: {  	[smem:$0x3FC6] =	sst s2  }
0x8f: {  	_ = 	snop  }
0x90: {  	s2 =	sld [smem:$0x3FC9];
	(tm) =	ssettm $0x1  }
0x91: {  	s18 =	sld [smem:$0x3FFB];
	_ =	sdelay $0x3  }
0x92: {  	_ =	strace s18  }
0x93: {  	s3 =	sld [smem:$0x3FFC];
	_ =	sdelay $0x3  }
0x94: {  	_ =	strace s3  }
0x95: {  	s3 =	sld [smem:$0x3FFD];
	_ =	sdelay $0x3  }
0x96: {  	_ =	strace s3  }
0x97: {  	_ =	strace $0x8FFFFFFF  }
0x98: {  	s19 =	sld [smem:$0x3FDB];
	_ =	sdelay $0x1  }
0x99: {  	s4 =	simm.s32 $_scs_section_size  }
0x9a: {  	s5 =	simm.s32 $_size__tile_overlayer_lowered;
	s6 =	simm.s32 $_tile_overlayer_lowered  }
0x9b: {  	s22 =	simm.s32 $0x1BFF;
	s21 =	sshll.u32 s6, $0x1;
	s3 =	sadd.s32 s4, s19  }
0x9c: {  	s7 =	simm.s32 $0x0;
	s20 =	sshll.u32 s5, $0x1;
	s5 =	sadd.s32 s21, s3  }
0x9d: {  	[timem:s7], [sflag:s22] =	dma.local [hbm:s5], s20  }
0x9e: {  	_ =	swait.ge [sflag:s22], s20  }
0x9f: {  	s4 =	ssub.s32 $0x0, s20;
	[sflag:s22] =	ssyncset.done $0x0  }
0xa0: {  	[sflag:s22] =	ssyncadd.s32 s4;
	_ =	sdelay $0x1  }
0xa1: {  	s23 =	simm.s32 $0x1B8B  }
0xa2: {  	_ =	swait.ge [sflag:s23], $0x1  }
0xa3: {  	[sflag:s23] =	ssyncset.done $0x0  }
0xa4: {  	s25 =	simm.s32 $0x1B8E;
	s24 =	sld [smem:$0x3FFE];
	[sflag:s23] =	ssyncadd.s32 $0xFFFFFFFF  }
0xa5: {  	s26 =	simm.s32 $execute0_lowered;
	[smem:$0x3FD2] =	sst s25  }
0xa6: {  	s5 =	sshll.u32 s26, $0x1;
	_ =	strace $0x80000046;
	[dreg:$0x1] =	wrdreg $0xFFFFFFFF  }
0xa7: {  	s28 =	simm.s32 $_size_execute0_lowered;
	s3 =	sadd.s32 s3, s5;
	[dreg:$0x0] =	wrdreg $0x0  }
0xa8: {  	s5 =	sshll.u32 s28, $0x1;
	[dreg:$0x2] =	wrdreg s3  }
0xa9: {  	[dreg:$0x3] =	wrdreg s5  }
0xaa: {  	[dreg:$0x4] =	wrdreg $0xC0  }
0xab: {  	_ =	task [dreg:s7], $0x5FFFF  }
0xac: {  	[dreg:$0x1] =	wrdreg $0xFFFFFFFF  }
0xad: {  	[dreg:$0x0] =	wrdreg $0x60  }
0xae: {  	[dreg:$0x2] =	wrdreg s2  }
0xaf: {  	[dreg:$0x3] =	wrdreg s24  }
0xb0: {  	[dreg:$0x4] =	wrdreg $0x9  }
0xb1: {  	_ =	task.clear_ibuf [dreg:s7], $0x5FFFF;
	_ =	strace $0x90000046  }
0xb2: {  	s29 =	simm.s32 $0x9;
	_ =	strace $0x80000048  }
0xb3: {  	_ =	swait.ge [sflag:s29], $0x1  }
0xb4: {  	[sflag:s29] =	ssyncadd.s32 $0xFFFFFFFF  }
0xb5: {  	_ =	strace $0x90000048  }
0xb6: {  	_ =	sfence  }
0xb7: {  	s30 =	sld [smem:$0x0];
	_ =	sdelay $0x2  }
0xb8: {  	s31 =	sshll.u32 s1, $0xD;
	s1 =	sshrl.u32 s1, $0x2  }
0xb9: {  	s3 =	sand.u32 $0x4000, s31;
	s1 =	sadd.s32 s1, s30  }
0xba: {  	s0 =	sor.u32 s3, s0;
	s1 =	sshll.u32 s1, $0x11  }
0xbb: {  	s0 =	sor.u32 s1, s0  }
0xbc: {  	s0 =	sadd.s32 $0x8F2B, s0  }
0xbd: {  	[sflag:s0] =	ssyncadd.remote.s32 $0x1  }
0xbe: {  	_ =	sfence.sel $0xFFFF  }
0xbf: {  	[dreg:$0x0] =	wrdreg $0xFFFFFFFF;
	(pc) =	sbr.abs _section_cstart, $3  }
0xc0: {  	[dreg:$0x1] =	wrdreg $0xFFFFFFFF  }
0xc1: {  	_ =	task.clear_ibuf [dreg:s7], $0x2FFFF;
	_ =	strace $0x9FFFFFFF  }
0xc2: {  	(tm) =	ssettm $0x7FFFFFFF  }
0xc3: {  	_ =	shalt  }
tec
execute0_lowered:
.L_overlay_start_1:
0x0: {  	(tag) =	ssettag $0x1  }
0x1: {  	s4 =	rddreg [dreg:$0x0]  }
0x2: {  	s5 =	rddreg [dreg:$0x1];
	s2 =	simm.s32 $0x0  }
0x3: {  	s3 =	srdreg.scid;
	s0 =	stileid.u32;
	s10 =	simm.s32 $0x0  }
0x4: {  	vm0 =	vmmov $0x1;
	[smem:$0x7FF] =	sst s2;
	s6 =	sand.u32 $0x1, s3;
	s8 =	sshll.u32 s0, $0x9  }
0x5: {  	vm1 =	vcmask $0x308;
	vm2 =	vcmask $0x70C;
	vm3 =	vcmask $0xB10;
	s3 =	sadd.s32 $0x400, s5;
	s7 =	sshll.u32 s6, $0xD;
	s6 =	ssub.s32 $0x2, s6  }
0x6: {  	vm4 =	vcmask $0xF14;
	vm5 =	vcmask $0x1318;
	vm6 =	vcmask $0x171C;
	_ =	strace $0x80000047;
	s7 =	sor.u32 s8, s7;
	s9 =	sshrl.u32 s6, $0x1  }
0x7: {  	vm7 =	vcmask $0x1B20;
	vm8 =	vcmask $0x1F24;
	vm9 =	vcmask $0x2328;
	s8 =	sshll.u32 s7, $0x4;
	s7 =	sshrl.u32 s7, $0x3;
	s6 =	ssub.s32 s6, s9  }
0x8: {  	vm10 =	vcmask $0x272C;
	vm11 =	vcmask $0x2B30;
	vm12 =	vcmask $0x2F34;
	s5 =	sadd.s32 s8, s5;
	s4 =	sadd.s32 s4, s7;
	s6 =	smax.u32 s6, $0x1  }
0x9: {  	vm13 =	vcmask $0x3338;
	vm14 =	vcmask $0x373C;
	vm15 =	vmmov $0x7fff;
	s7 =	simm.s32 $0x2;
	s8 =	simm.s32 $0x1;
	s5 =	sadd.s32 $0xF42800, s5  }
.LBB2_1:
0xa: {  	[tilespmem:s2], [sflag:$0x2] =	stream.linear.gather [hbm4b:s4+s2], $0x200, $0x38;
	[tilespmem:$0x10200] =	vst v63  }
0xb: {  	_ =	swait.ge [sflag:s7], $0x200  }
0xc: {  	[sflag:s7] =	ssyncset.done $0x0  }
0xd: {  	[sflag:s7] =	ssyncadd.s32 $0xFFFFFE00  }
0xe: {  	v0 =	vld [tilespmem:s2+$0x0];
	_ =	sdelay $0x4  }
0xf: {  	v1 =	vnsel vm0, $0x0, v0  }
0x10: {  	v2 =	vsel vm2, $0x0, v0;
	(xrf0) =	vadd.scan.msk.s32 $0xffff, v1  }
0x11: {  	v40 =	vsel vm3, $0x0, v0;
	(xrf0) =	vadd.scan.msk.s32 $0xffff, v2  }
0x12: {  	v41 =	vsel vm1, $0x0, v0;
	(xrf0) =	vadd.scan.msk.s32 $0xffff, v40  }
0x13: {  	(xrf0) =	vadd.scan.msk.s32 $0xffff, v41;
	_ =	sdelay $0x2  }
0x14: {  	v42, _, _ =	vpop (xrf0)  }
0x15: {  	v43 =	vsel vm8, $0x0, v0;
	(v2sf) =	vpush v42, $0xF;
	v44, _, _ =	vpop (xrf0)  }
0x16: {  	v3 =	vsel vm9, $0x0, v0;
	(xrf0) =	vadd.scan.msk.s32 $0xffff, v43;
	(v2sf) =	vpush v44, $0xF;
	v45, _, _ =	vpop (xrf0)  }
0x17: {  	v46 =	vsel vm5, $0x0, v0;
	(xrf0) =	vadd.scan.msk.s32 $0xffff, v3;
	v47, _, _ =	vpop (xrf0);
	(v2sf) =	vpush v45, $0xF  }
0x18: {  	v48 =	vsel vm4, $0x0, v0;
	(xrf0) =	vadd.scan.msk.s32 $0xffff, v46;
	(v2sf) =	vpush v47, $0xF  }
0x19: {  	(xrf0) =	vadd.scan.msk.s32 $0xffff, v48;
	_ =	sdelay $0x1  }
0x1a: {  	v49 =	vsel vm10, $0x0, v0  }
0x1b: {  	v50 =	vsel vm11, $0x0, v0;
	(xrf0) =	vadd.scan.msk.s32 $0xffff, v49;
	v51, _, _ =	vpop (xrf0)  }
0x1c: {  	v52 =	vsel vm12, $0x0, v0;
	(xrf0) =	vadd.scan.msk.s32 $0xffff, v50;
	v53, _, _ =	vpop (xrf0)  }
0x1d: {  	v4 =	vsel vm13, $0x0, v0;
	(xrf0) =	vadd.scan.msk.s32 $0xffff, v52;
	(v2sf) =	vpush v51, $0xF;
	v54, _, _ =	vpop (xrf0)  }
0x1e: {  	v55 =	vsel vm14, $0x0, v0;
	(xrf0) =	vadd.scan.msk.s32 $0xffff, v4;
	v56, _, _ =	vpop (xrf0)  }
0x1f: {  	v5 =	vsel vm6, $0x0, v0;
	(xrf0) =	vadd.scan.msk.s32 $0xffff, v55;
	(v2sf) =	vpush v56, $0xF  }
0x20: {  	v57 =	vsel vm7, $0x0, v0;
	(xrf0) =	vadd.scan.msk.s32 $0xffff, v5  }
0x21: {  	s11 =	simm.s32 $0x2000;
	s12 =	simm.s32 $0x0;
	s20 =	simm.s32 $0x300;
	(xrf0) =	vadd.scan.msk.s32 $0xffff, v57;
	v58, _, _ =	vpop (xrf0);
	(v2sf) =	vpush v54, $0xF  }
0x22: {  	s21 =	simm.s32 $0x400;
	s16 =	simm.s32 $0x580;
	s13 =	simm.s32 $0x200;
	v59, _, _ =	vpop (xrf0)  }
0x23: {  	s22 =	simm.s32 $0x280;
	s17 =	simm.s32 $0x500;
	(v2sf) =	vpush v58, $0xF;
	v60, _, _ =	vpop (xrf0);
	s14 =	spop (v2sf)  }
0x24: {  	s23 =	simm.s32 $0x480;
	v61, _, _ =	vpop (xrf0);
	s14 =	sshll.u32 s14, $0x4;
	s24 =	spop (v2sf)  }
0x25: {  	s15 =	simm.s32 $0x800;
	v62, _, _ =	vpop (xrf0);
	(v2sf) =	vpush v53, $0xF;
	s18 =	sand.u32 $0x1FFFFFF0, s14;
	s25 =	spop (v2sf)  }
0x26: {  	s19 =	simm.s32 $0x700;
	v63, _, _ =	vpop (xrf0);
	s18 =	sadd.s32 s3, s18;
	s26 =	spop (v2sf)  }
0x27: {  	v6, _, _ =	vpop (xrf0);
	(v2sf) =	vpush v63, $0xF;
	[tilespmem:s13], [sflag:$0x1] =	stream.linear.gather [hbm4b:s18+s2], $0x80, $0x38;
	[tilespmem:$0x10200] =	vst v63  }
0x28: {  	s0 =	simm.s32 $0x380;
	(v2sf) =	vpush v6, $0xF;
	s24 =	sshll.u32 s24, $0x4;
	s26 =	sshll.u32 s26, $0x4  }
0x29: {  	s14 =	simm.s32 $0x880;
	s24 =	sand.u32 $0x1FFFFFF0, s24;
	s26 =	sand.u32 $0x1FFFFFF0, s26  }
0x2a: {  	s25 =	sshll.u32 s25, $0x4;
	(v2sf) =	vpush v59, $0xF;
	s13 =	simm.s32 $0x10;
	s26 =	sadd.s32 s3, s26  }
0x2b: {  	[tilespmem:s22], [sflag:$0x1] =	stream.linear.gather [hbm4b:s26+s2], $0x80, $0x38;
	[tilespmem:$0x10200] =	vst v63  }
0x2c: {  	s25 =	sand.u32 $0x1FFFFFF0, s25;
	s24 =	sadd.s32 s3, s24;
	s30 =	spop (v2sf)  }
0x2d: {  	v0 =	vsel vm15, $0x0, v0;
	[tilespmem:s20], [sflag:$0x1] =	stream.linear.gather [hbm4b:s24+s2], $0x80, $0x38;
	[tilespmem:$0x10200] =	vst v63  }
0x2e: {  	(xrf0) =	vadd.scan.msk.s32 $0xffff, v0;
	s18 =	simm.s32 $0x780;
	(v2sf) =	vpush v60, $0xF;
	s25 =	sadd.s32 s3, s25;
	s31 =	spop (v2sf)  }
0x2f: {  	[tilespmem:s0], [sflag:$0x1] =	stream.linear.gather [hbm4b:s25+s2], $0x80, $0x38;
	[tilespmem:$0x10200] =	vst v63  }
0x30: {  	(v2sf) =	vpush v61, $0xF;
	s22 =	sshll.u32 s30, $0x4;
	s24 =	sshll.u32 s31, $0x4;
	s1 =	spop (v2sf)  }
0x31: {  	s20 =	simm.s32 $0x680;
	s24 =	sand.u32 $0x1FFFFFF0, s24;
	s25 =	sshll.u32 s1, $0x4  }
0x32: {  	s9 =	spop (v2sf);
	s25 =	sand.u32 $0x1FFFFFF0, s25;
	s24 =	sadd.s32 s3, s24  }
0x33: {  	[tilespmem:s21], [sflag:$0x1] =	stream.linear.gather [hbm4b:s24+s2], $0x80, $0x38;
	[tilespmem:$0x10200] =	vst v63  }
0x34: {  	s30 =	sshll.u32 s9, $0x4;
	s25 =	sadd.s32 s3, s25;
	s29 =	spop (v2sf);
	(v2sf) =	vpush v62, $0xF  }
0x35: {  	v0, _, _ =	vpop (xrf0);
	[tilespmem:s23], [sflag:$0x1] =	stream.linear.gather [hbm4b:s25+s2], $0x80, $0x38;
	[tilespmem:$0x10200] =	vst v63  }
0x36: {  	s24 =	simm.s32 $0x600;
	s26 =	sand.u32 $0x1FFFFFF0, s30;
	s31 =	spop (v2sf);
	(v2sf) =	vpush v0, $0xF  }
0x37: {  	s25 =	sand.u32 $0x1FFFFFF0, s22;
	s23 =	sshll.u32 s31, $0x4;
	s28 =	spop (v2sf)  }
0x38: {  	s22 =	sshll.u32 s29, $0x4;
	s21 =	sand.u32 $0x1FFFFFF0, s23;
	s28 =	sshll.u32 s28, $0x4  }
.LBB2_2:
0x39: {  	s21 =	sadd.s32 s3, s21;
	s23 =	sand.u32 $0x1FFFFFF0, s28;
	s28 =	spop (v2sf)  }
0x3a: {  	[tilespmem:s17], [sflag:$0x1] =	stream.linear.gather [hbm4b:s21+s2], $0x80, $0x38;
	[tilespmem:$0x10200] =	vst v63  }
0x3b: {  	s17 =	sadd.s32 s3, s23;
	s21 =	sand.u32 $0x1FFFFFF0, s22;
	s22 =	sshll.u32 s28, $0x4  }
0x3c: {  	[tilespmem:s16], [sflag:$0x1] =	stream.linear.gather [hbm4b:s17+s2], $0x80, $0x38;
	[tilespmem:$0x10200] =	vst v63  }
0x3d: {  	s16 =	sadd.s32 s3, s25;
	s17 =	sand.u32 $0x1FFFFFF0, s22;
	s22 =	spop (v2sf)  }
0x3e: {  	[tilespmem:s24], [sflag:$0x1] =	stream.linear.gather [hbm4b:s16+s2], $0x80, $0x38;
	[tilespmem:$0x10200] =	vst v63  }
0x3f: {  	s16 =	sadd.s32 s3, s21;
	s21 =	sshll.u32 s22, $0x4;
	s22 =	spop (v2sf)  }
0x40: {  	[tilespmem:s20], [sflag:$0x1] =	stream.linear.gather [hbm4b:s16+s2], $0x80, $0x38;
	[tilespmem:$0x10200] =	vst v63  }
0x41: {  	s16 =	sadd.s32 s3, s26;
	s20 =	sand.u32 $0x1FFFFFF0, s21;
	s21 =	sshll.u32 s22, $0x4  }
0x42: {  	[tilespmem:s19], [sflag:$0x1] =	stream.linear.gather [hbm4b:s16+s2], $0x80, $0x38;
	[tilespmem:$0x10200] =	vst v63  }
0x43: {  	s16 =	sadd.s32 s3, s17;
	s17 =	sand.u32 $0x1FFFFFF0, s21;
	s19 =	spop (v2sf)  }
0x44: {  	[tilespmem:s18], [sflag:$0x1] =	stream.linear.gather [hbm4b:s16+s2], $0x80, $0x38;
	[tilespmem:$0x10200] =	vst v63  }
0x45: {  	s16 =	sadd.s32 s3, s20;
	s18 =	sshll.u32 s19, $0x4;
	s19 =	spop (v2sf)  }
0x46: {  	[tilespmem:s15], [sflag:$0x1] =	stream.linear.gather [hbm4b:s16+s2], $0x80, $0x38;
	[tilespmem:$0x10200] =	vst v63  }
0x47: {  	s15 =	sadd.s32 s3, s17;
	s16 =	sand.u32 $0x1FFFFFF0, s18;
	s17 =	sshll.u32 s19, $0x4  }
0x48: {  	[tilespmem:s14], [sflag:$0x1] =	stream.linear.gather [hbm4b:s15+s2], $0x80, $0x38;
	[tilespmem:$0x10200] =	vst v63  }
0x49: {  	s14 =	sadd.s32 $0x900, s12;
	s15 =	sadd.s32 s3, s16;
	s16 =	sand.u32 $0x1FFFFFF0, s17  }
0x4a: {  	[tilespmem:s14], [sflag:$0x1] =	stream.linear.gather [hbm4b:s15+s2], $0x80, $0x38;
	[tilespmem:$0x10200] =	vst v63  }
0x4b: {  	p0 =	sne.s32 s11, $0x3E000;
	s12 =	sadd.s32 $0x980, s12;
	s14 =	sadd.s32 s3, s16  }
0x4c: {  	[tilespmem:s12], [sflag:$0x1] =	stream.linear.gather [hbm4b:s14+s2], $0x80, $0x38;
	[tilespmem:$0x10200] =	vst v63  }
0x4d: {  	s12 =	smov.u32 s11;
	s11 =	sadd.s32 $0x2000, s11;
	v0 =	vld [tilespmem:s13+$0x0];
	_ =	sdelay $0x4  }
0x4e: {  	v1 =	vnsel vm0, $0x0, v0;
	v2 =	vsel vm3, $0x0, v0;
	v3 =	vsel vm14, $0x0, v0  }
0x4f: {  	v4 =	vsel vm2, $0x0, v0;
	v5 =	vsel vm15, $0x0, v0;
	(xrf0) =	vadd.scan.msk.s32 $0xffff, v1  }
0x50: {  	v6 =	vsel vm6, $0x0, v0;
	v1 =	vsel vm1, $0x0, v0;
	(xrf0) =	vadd.scan.msk.s32 $0xffff, v4  }
0x51: {  	v4 =	vsel vm7, $0x0, v0;
	(xrf0) =	vadd.scan.msk.s32 $0xffff, v2  }
0x52: {  	v2 =	vsel vm8, $0x0, v0;
	(xrf0) =	vadd.scan.msk.s32 $0xffff, v1  }
0x53: {  	v1 =	vsel vm9, $0x0, v0;
	(xrf0) =	vadd.scan.msk.s32 $0xffff, v2  }
0x54: {  	v2 =	vsel vm5, $0x0, v0;
	(xrf0) =	vadd.scan.msk.s32 $0xffff, v1  }
0x55: {  	v1 =	vsel vm4, $0x0, v0;
	v7, _, _ =	vpop (xrf0);
	(xrf0) =	vadd.scan.msk.s32 $0xffff, v2  }
0x56: {  	v2 =	vsel vm10, $0x0, v0;
	(v2sf) =	vpush v7, $0xF;
	v7, _, _ =	vpop (xrf0);
	(xrf0) =	vadd.scan.msk.s32 $0xffff, v1  }
0x57: {  	v9 =	vsel vm11, $0x0, v0;
	(v2sf) =	vpush v7, $0xF;
	v7, _, _ =	vpop (xrf0);
	(xrf0) =	vadd.scan.msk.s32 $0xffff, v2  }
0x58: {  	s12 =	sshra.s32 s12, $0x2;
	v2 =	vsel vm12, $0x0, v0;
	v8, _, _ =	vpop (xrf0);
	(v2sf) =	vpush v7, $0xF;
	(xrf0) =	vadd.scan.msk.s32 $0xffff, v9  }
0x59: {  	s22 =	sadd.s32 $0x300, s12;
	v7 =	vsel vm13, $0x0, v0;
	(v2sf) =	vpush v8, $0xF;
	v1, _, _ =	vpop (xrf0);
	(xrf0) =	vadd.scan.msk.s32 $0xffff, v2  }
0x5a: {  	s21 =	sadd.s32 $0x400, s12;
	s16 =	sadd.s32 $0x580, s12;
	(v2sf) =	vpush v1, $0xF;
	v1, _, _ =	vpop (xrf0);
	(xrf0) =	vadd.scan.msk.s32 $0xffff, v7  }
0x5b: {  	s24 =	sadd.s32 $0x200, s12;
	s26 =	sadd.s32 $0x280, s12;
	v0, _, _ =	vpop (xrf0);
	(xrf0) =	vadd.scan.msk.s32 $0xffff, v3  }
0x5c: {  	s17 =	sadd.s32 $0x500, s12;
	v2, _, _ =	vpop (xrf0);
	(xrf0) =	vadd.scan.msk.s32 $0xffff, v6  }
0x5d: {  	s23 =	sadd.s32 $0x480, s12;
	(v2sf) =	vpush v2, $0xF;
	(xrf0) =	vadd.scan.msk.s32 $0xffff, v4;
	v2, _, _ =	vpop (xrf0)  }
0x5e: {  	(v2sf) =	vpush v0, $0xF;
	v0, _, _ =	vpop (xrf0);
	(xrf0) =	vadd.scan.msk.s32 $0xffff, v5  }
0x5f: {  	(v2sf) =	vpush v2, $0xF;
	v2, _, _ =	vpop (xrf0)  }
0x60: {  	v3, _, _ =	vpop (xrf0)  }
0x61: {  	v4, _, _ =	vpop (xrf0)  }
0x62: {  	v5, _, _ =	vpop (xrf0);
	(v2sf) =	vpush v1, $0xF  }
0x63: {  	v1, _, _ =	vpop (xrf0)  }
0x64: {  	s13 =	sadd.s32 $0x10, s13;
	s15 =	sadd.s32 $0x800, s12;
	s14 =	sadd.s32 $0x880, s12;
	(v2sf) =	vpush v5, $0xF;
	v5, _, _ =	vpop (xrf0)  }
0x65: {  	s19 =	sadd.s32 $0x700, s12;
	s18 =	sadd.s32 $0x780, s12;
	s20 =	spop (v2sf)  }
0x66: {  	s25 =	sshll.u32 s20, $0x4;
	s20 =	sadd.s32 $0x680, s12;
	s28 =	spop (v2sf);
	(v2sf) =	vpush v1, $0xF  }
0x67: {  	s25 =	sand.u32 $0x1FFFFFF0, s25;
	s28 =	sshll.u32 s28, $0x4;
	s29 =	spop (v2sf)  }
0x68: {  	s25 =	sadd.s32 s3, s25;
	s28 =	sand.u32 $0x1FFFFFF0, s28;
	s30 =	spop (v2sf)  }
0x69: {  	s29 =	sshll.u32 s29, $0x4;
	s30 =	sshll.u32 s30, $0x4;
	s31 =	spop (v2sf)  }
0x6a: {  	s29 =	sand.u32 $0x1FFFFFF0, s29;
	s30 =	sand.u32 $0x1FFFFFF0, s30;
	s31 =	sshll.u32 s31, $0x4;
	(v2sf) =	vpush v0, $0xF  }
0x6b: {  	[tilespmem:s24], [sflag:$0x1] =	stream.linear.gather [hbm4b:s25+s2], $0x80, $0x38;
	[tilespmem:$0x10200] =	vst v63  }
0x6c: {  	s24 =	sadd.s32 $0x600, s12;
	s25 =	sand.u32 $0x1FFFFFF0, s31;
	s31 =	spop (v2sf)  }
0x6d: {  	s0 =	sadd.s32 $0x380, s12;
	s31 =	sshll.u32 s31, $0x4;
	s1 =	spop (v2sf)  }
0x6e: {  	s31 =	sand.u32 $0x1FFFFFF0, s31;
	s1 =	sshll.u32 s1, $0x4;
	s9 =	spop (v2sf);
	(v2sf) =	vpush v2, $0xF  }
0x6f: {  	s30 =	sadd.s32 s3, s30;
	s1 =	sand.u32 $0x1FFFFFF0, s1;
	s9 =	sshll.u32 s9, $0x4  }
0x70: {  	[tilespmem:s26], [sflag:$0x1] =	stream.linear.gather [hbm4b:s30+s2], $0x80, $0x38;
	(v2sf) =	vpush v3, $0xF;
	[tilespmem:$0x10200] =	vst v63  }
0x71: {  	s28 =	sadd.s32 s3, s28;
	s26 =	sand.u32 $0x1FFFFFF0, s9;
	s9 =	spop (v2sf)  }
0x72: {  	[tilespmem:s22], [sflag:$0x1] =	stream.linear.gather [hbm4b:s28+s2], $0x80, $0x38;
	[tilespmem:$0x10200] =	vst v63  }
0x73: {  	s28 =	sadd.s32 s3, s29;
	s22 =	sshll.u32 s9, $0x4;
	s9 =	spop (v2sf)  }
0x74: {  	[tilespmem:s0], [sflag:$0x1] =	stream.linear.gather [hbm4b:s28+s2], $0x80, $0x38;
	[tilespmem:$0x10200] =	vst v63  }
.Ltmp0:
0x75: {  	(v2sf) =	vpush v4, $0xF;
	(pc) =	sbr.rel @p0 .LBB2_2-.Ltmp0, $4  }
0x76: {  	s0 =	sadd.s32 s3, s31;
	s9 =	sshll.u32 s9, $0x4;
	s28 =	spop (v2sf)  }
0x77: {  	[tilespmem:s21], [sflag:$0x1] =	stream.linear.gather [hbm4b:s0+s2], $0x80, $0x38;
	(v2sf) =	vpush v5, $0xF;
	[tilespmem:$0x10200] =	vst v63  }
0x78: {  	s0 =	sadd.s32 s3, s1;
	s21 =	sand.u32 $0x1FFFFFF0, s9;
	s28 =	sshll.u32 s28, $0x4  }
0x79: {  	[tilespmem:s23], [sflag:$0x1] =	stream.linear.gather [hbm4b:s0+s2], $0x80, $0x38;
	[tilespmem:$0x10200] =	vst v63  }
0x7a: {  	s0 =	sadd.s32 s3, s21;
	s1 =	sand.u32 $0x1FFFFFF0, s28;
	s9 =	spop (v2sf)  }
0x7b: {  	[tilespmem:s17], [sflag:$0x1] =	stream.linear.gather [hbm4b:s0+s2], $0x80, $0x38;
	[tilespmem:$0x10200] =	vst v63  }
0x7c: {  	s30 =	sand.u32 $0x1FFFFFF0, s22;
	s31 =	sadd.s32 s3, s25;
	s29 =	sadd.s32 s3, s1  }
0x7d: {  	[tilespmem:s16], [sflag:$0x1] =	stream.linear.gather [hbm4b:s29+s2], $0x80, $0x38;
	[tilespmem:$0x10200] =	vst v63  }
0x7e: {  	s9 =	sshll.u32 s9, $0x4;
	s1 =	sadd.s32 s3, s30;
	s11 =	spop (v2sf)  }
0x7f: {  	[tilespmem:s24], [sflag:$0x1] =	stream.linear.gather [hbm4b:s31+s2], $0x80, $0x38;
	[tilespmem:$0x10200] =	vst v63  }
0x80: {  	s17 =	sadd.s32 s3, s26;
	s13 =	sshll.u32 s11, $0x4;
	s16 =	spop (v2sf)  }
0x81: {  	[tilespmem:s20], [sflag:$0x1] =	stream.linear.gather [hbm4b:s1+s2], $0x80, $0x38;
	[tilespmem:$0x10200] =	vst v63  }
0x82: {  	s9 =	sand.u32 $0x1FFFFFF0, s9;
	s11 =	sshll.u32 s16, $0x4;
	s1 =	sand.u32 $0x1FFFFFF0, s13  }
0x83: {  	[tilespmem:s19], [sflag:$0x1] =	stream.linear.gather [hbm4b:s17+s2], $0x80, $0x38;
	[tilespmem:$0x10200] =	vst v63  }
0x84: {  	s20 =	sand.u32 $0x1FFFFFF0, s11;
	s19 =	sadd.s32 s3, s9;
	s21 =	spop (v2sf)  }
0x85: {  	[tilespmem:s18], [sflag:$0x1] =	stream.linear.gather [hbm4b:s19+s2], $0x80, $0x38;
	[tilespmem:$0x10200] =	vst v63  }
0x86: {  	s22 =	sadd.s32 s3, s1;
	s23 =	sshll.u32 s21, $0x4;
	s24 =	spop (v2sf)  }
0x87: {  	[tilespmem:s15], [sflag:$0x1] =	stream.linear.gather [hbm4b:s22+s2], $0x80, $0x38;
	[tilespmem:$0x10200] =	vst v63  }
0x88: {  	s25 =	sadd.s32 s3, s20;
	s1 =	sand.u32 $0x1FFFFFF0, s23;
	s26 =	sshll.u32 s24, $0x4  }
0x89: {  	[tilespmem:s14], [sflag:$0x1] =	stream.linear.gather [hbm4b:s25+s2], $0x80, $0x38;
	[tilespmem:$0x10200] =	vst v63  }
0x8a: {  	s28 =	sadd.s32 $0x900, s12;
	s1 =	sadd.s32 s3, s1;
	s9 =	sand.u32 $0x1FFFFFF0, s26  }
0x8b: {  	[tilespmem:s28], [sflag:$0x1] =	stream.linear.gather [hbm4b:s1+s2], $0x80, $0x38;
	[tilespmem:$0x10200] =	vst v63  }
0x8c: {  	s29 =	sadd.s32 $0x980, s12;
	s30 =	sadd.s32 s3, s9  }
0x8d: {  	[tilespmem:s29], [sflag:$0x1] =	stream.linear.gather [hbm4b:s30+s2], $0x80, $0x38;
	[tilespmem:$0x10200] =	vst v63  }
0x8e: {  	s10 =	sadd.s32 $0x1, s10;
	_ =	swait.ge [sflag:s8], $0x10000  }
0x8f: {  	p0 =	sne.s32 s10, s6;
	[sflag:s8] =	ssyncset.done $0x0  }
.Ltmp1:
0x90: {  	s31 =	simm.s32 $0x200;
	[sflag:s8] =	ssyncadd.s32 $0xFFFF0000;
	(pc) =	sbr.rel @p0 .LBB2_1-.Ltmp1, $4  }
0x91: {  	[hbm4b:s5+s2] =	stream.linear.scatter [tilespmem:s31], [sflag:$0x2], $0x10000, $0x38;
	[tilespmem:$0x10200] =	vst v63  }
0x92: {  	_ =	swait.ge [sflag:s7], $0x10000  }
0x93: {  	[sflag:s7] =	ssyncset.done $0x0  }
0x94: {  	[sflag:s7] =	ssyncadd.s32 $0xFFFF0000  }
0x95: {  	_ =	sfence.sel $0x180000  }
0x96: {  	[bflag:$0x0] =	sbarrier.arrive $0xFFFF  }
0x97: {  	_ =	strace $0x90000047  }
0x98: {  	s0 =	stileid.u32;
	[bflag:$0x2] =	sbarrier.arrive $0xFFFF  }
0x99: {  	p0 =	sne.s32 s0, $0x0;
	s0 =	rddreg [dreg:$0x2]  }
0x9a: {  	s0 =	sadd.s32 @!p0 $0x100000, s0  }
0x9b: {  	[sflag:s0] =	ssyncadd.tile.s32 @!p0 $0x1;
	_ =	shalt  }
.Lfunc_end2:
_tile_overlayer_lowered:
.L_overlay_start_2:
0x9c: {  	(tag) =	ssettag $0x2  }
0x9d: {  	s0 =	rddreg [dreg:$0x0];
	s2 =	stileid.u32  }
0x9e: {  	s1 =	rddreg [dreg:$0x1];
	p0 =	sne.s32 s2, $0x0  }
0x9f: {  	s3 =	rddreg [dreg:$0x2];
	[bflag:$0x3] =	sbarrier.arrive $0xFFFF;
	s2 =	simm.s32 @!p0 $0x1C02  }
0xa0: {  	[timem:s3], [sflag:s2] =	dma.local @!p0 [hbm:s0], s1  }
0xa1: {  	s0 =	simm.s32 @!p0 $0x2  }
0xa2: {  	_ =	swait.ge @!p0 [sflag:s0], s1  }
0xa3: {  	s1 =	ssub.s32 @!p0 $0x0, s1;
	[sflag:s0] =	ssyncset.done @!p0 $0x0  }
0xa4: {  	[sflag:s0] =	ssyncadd.s32 @!p0 s1  }
0xa5: {  	[bflag:$0x3] =	sbarrier.arrive $0xFFFF  }
0xa6: {  	_ =	shalt  }

</sc_bundles>
